<compile_context>
chip_gen: v7x
topology: tpu7x:2x2x1
jax: 0.10.2.dev20260603
libtpu: 0.0.44.dev20260713+nightly
codegen_flags: <defaults>
</compile_context>

<pallas_src>
import functools

import jax
import jax.numpy as jnp
from jax import lax
from jax.experimental import pallas as pl
from jax.experimental.pallas import tpu as pltpu
from jax.experimental.pallas import tpu_sc as plsc

FEATURES = 32
NUM_CORES = 2
NUM_SUBCORES = 16
NUM_WORKERS = NUM_CORES * NUM_SUBCORES

B_CHUNK = 128
FIRE = 16

PACK_CHUNK = 3125


def _pack_body(n_chunks, bf16_hbm, out_hbm, buf, obuf, _sem):
    wid = lax.axis_index("s") * NUM_CORES + lax.axis_index("c")
    rows_per_w = n_chunks * PACK_CHUNK
    unroll = 5

    def chunk_body(g, carry):
        row0 = wid * rows_per_w + g * PACK_CHUNK
        pltpu.sync_copy(bf16_hbm.at[pl.ds(row0, PACK_CHUNK)], buf)

        def repack(i, c):
            for u in range(unroll):
                r = i * unroll + u
                obuf[r, :] = plsc.bitcast(buf[r, :], jnp.int32)
            return c

        lax.fori_loop(0, PACK_CHUNK // unroll, repack, 0)
        pltpu.sync_copy(obuf, out_hbm.at[pl.ds(row0, PACK_CHUNK)])
        return carry

    lax.fori_loop(0, n_chunks, chunk_body, 0)


def _embed_body(n_chunks, hist, idx_hbm, table_hbm, out_hbm, idx_v, rows_v, obuf, sem):
    wid = lax.axis_index("s") * NUM_CORES + lax.axis_index("c")
    b_per_w = n_chunks * B_CHUNK
    feat32 = FEATURES // 2

    def chunk_body(g, carry):
        b0 = wid * b_per_w + g * B_CHUNK
        pltpu.sync_copy(idx_hbm.at[pl.ds(b0, B_CHUNK)], idx_v)

        def fire_batch(ro, c):
            copies = []
            for u in range(FIRE):
                r = ro * FIRE + u
                copies.append(
                    pltpu.async_copy(
                        table_hbm.at[idx_v.at[r]],
                        rows_v.at[r],
                        sem,
                    )
                )
            for cp in copies:
                cp.wait()
            return c

        lax.fori_loop(0, B_CHUNK // FIRE, fire_batch, 0)

        def to_u16(i, c):
            for u in range(4):
                r = i * 4 + u
                b = r // hist
                h = r % hist
                obuf[b, h, :] = plsc.bitcast(rows_v[b, h, :], jnp.uint16)
            return c

        lax.fori_loop(0, B_CHUNK * hist // 4, to_u16, 0)
        pltpu.sync_copy(obuf, out_hbm.at[pl.ds(b0, B_CHUNK)])
        return carry

    lax.fori_loop(0, n_chunks, chunk_body, 0)


def kernel(inputs, embedding):
    batch, hist = inputs.shape
    assert batch % (NUM_WORKERS * B_CHUNK) == 0
    n_chunks = batch // (NUM_WORKERS * B_CHUNK)

    num_emb = embedding.shape[0]
    feat32 = FEATURES // 2
    assert num_emb % (NUM_WORKERS * PACK_CHUNK) == 0
    n_pack_chunks = num_emb // (NUM_WORKERS * PACK_CHUNK)


    mesh = plsc.VectorSubcoreMesh(core_axis_name="c", subcore_axis_name="s")
    sc_params = pltpu.CompilerParams(
        use_tc_tiling_on_sc=False, needs_layout_passes=False
    )

    pack = pl.kernel(
        functools.partial(_pack_body, n_pack_chunks),
        out_type=jax.ShapeDtypeStruct((num_emb, feat32), jnp.int32),
        mesh=mesh,
        scratch_types=[
            pltpu.VMEM((PACK_CHUNK, FEATURES), jnp.bfloat16),
            pltpu.VMEM((PACK_CHUNK, feat32), jnp.int32),
            pltpu.SemaphoreType.DMA,
        ],
        compiler_params=sc_params,
    )
    table_i32 = pack(embedding)

    run = pl.kernel(
        functools.partial(_embed_body, n_chunks, hist),
        out_type=jax.ShapeDtypeStruct((batch, hist, FEATURES), jnp.uint16),
        mesh=mesh,
        scratch_types=[
            pltpu.VMEM((B_CHUNK, hist), jnp.int32),
            pltpu.VMEM((B_CHUNK, hist, feat32), jnp.int32),
            pltpu.VMEM((B_CHUNK, hist, FEATURES), jnp.uint16),
            pltpu.SemaphoreType.DMA,
        ],
        compiler_params=sc_params,
    )
    out = run(inputs, table_i32)
    return jax.lax.bitcast_convert_type(out, jnp.bfloat16)

# --- scband reference (transcript-rebuilt; emitter-appended) ---
"""Pipeline reference for scband-embed-31628139168456 (READ-ONLY COPY).

The authoritative reference and input builder live on the scoring server;
editing this copy changes nothing except your own understanding.
"""

import jax, jax.numpy as jnp
import numpy as np

NUM_EMBEDDINGS = 1000000
FEATURES = 32
BATCH = 16384
HIST_LEN = 20

def setup_inputs(seed: int = 0) -> dict:
    key = jax.random.key(seed)
    k_idx, k_emb = jax.random.split(key)
    inputs = jax.random.randint(k_idx, (BATCH, HIST_LEN), 0, NUM_EMBEDDINGS, dtype=jnp.int32)
    # default_embed_init = variance_scaling(1.0, 'fan_in', 'normal', out_axis=0); fan_in = features
    std = 1.0 / np.sqrt(FEATURES)
    embedding = (jax.random.normal(k_emb, (NUM_EMBEDDINGS, FEATURES), dtype=jnp.float32) * std).astype(jnp.bfloat16)
    return {"inputs": inputs, "embedding": embedding}

def reference(inputs, embedding):
    # Embed.__call__: promote_dtype is identity here (dtype == param_dtype == bfloat16)
    # num_embeddings > 1, so gather rows along axis 0.
    return jnp.take(embedding, inputs, axis=0)

if __name__ == "__main__":
    import jax
    _d = setup_inputs()
    print(jax.jit(kernel)(*tuple(_d.values())))

</pallas_src>

<mosaic_0001>
#map = affine_map<(d0, d1) -> (0, 0)>
#map1 = affine_map<(d0, d1) -> (0, 0, 0)>
module attributes {stable_mosaic.version = 14 : i64} {
  func.func @_embed_body(%arg0: i32, %arg1: i32, %arg2: memref<16384x20xi32, #tpu.memory_space<hbm>>, %arg3: memref<1000000x16xi32, #tpu.memory_space<hbm>>, %arg4: memref<16384x20x32xi16, #tpu.memory_space<hbm>>, %arg5: memref<128x20xi32, #tpu.memory_space<vmem>>, %arg6: memref<128x20x16xi32, #tpu.memory_space<vmem>>, %arg7: memref<128x20x32xi16, #tpu.memory_space<vmem>>, %arg8: memref<!tpu.dma_semaphore, #tpu.memory_space<semaphore_mem>>) attributes {dimension_semantics = [#tpu.dimension_semantics<core_parallel>, #tpu.dimension_semantics<subcore_parallel>], iteration_bounds = array<i64: 2, 16>, scalar_prefetch = 0 : i64, scratch_operands = 4 : i64, tpu.core_type = #tpu.core_type<sc_vector_subcore>, window_params = [{transform_indices = #map}, {transform_indices = #map}, {transform_indices = #map1}]} {
    %mul3A = arith.constant 2 : i32
    %mul3A_0 = arith.muli %arg1, %mul3A : i32
    %add3A = arith.addi %mul3A_0, %arg0 : i32
    %scan3A = arith.constant 0 : i32
    %scan3A_1 = arith.constant 0 : i32
    %scan3A_2 = arith.constant 4 : i32
    %scan3A_3 = arith.addi %scan3A_1, %scan3A_2 : i32
    %scan3A_4 = arith.constant 1 : i32
    scf.for %scan3A_6 = %scan3A_1 to %scan3A_3 step %scan3A_4  : i32 {
      %mul3A_7 = arith.constant 512 : i32
      %mul3A_8 = arith.muli %add3A, %mul3A_7 : i32
      %mul3A_9 = arith.constant 128 : i32
      %mul3A_10 = arith.muli %scan3A_6, %mul3A_9 : i32
      %add3A_11 = arith.addi %mul3A_8, %mul3A_10 : i32
      "tpu.region"() ({
        %run_scoped3A = tpu.sem_alloc : memref<!tpu.dma_semaphore, #tpu.memory_space<semaphore_mem>>
        %dma_start3A = arith.constant 0 : i32
        %dma_start3A_24 = tpu.memref_slice %arg2[%add3A_11, %dma_start3A] : memref<16384x20xi32, #tpu.memory_space<hbm>> -> memref<128x20xi32, #tpu.memory_space<hbm>>
        %dma_start3A_25 = arith.constant 0 : i32
        %dma_start3A_26 = tpu.memref_slice %arg2[%add3A_11, %dma_start3A_25] : memref<16384x20xi32, #tpu.memory_space<hbm>> -> memref<128x20xi32, #tpu.memory_space<hbm>>
        tpu.enqueue_dma source(%dma_start3A_26 : memref<128x20xi32, #tpu.memory_space<hbm>>) target(%arg5 : memref<128x20xi32, #tpu.memory_space<vmem>>) target_semaphore(%run_scoped3A : memref<!tpu.dma_semaphore, #tpu.memory_space<semaphore_mem>>)
        %dma_wait3A = arith.constant 0 : i32
        %dma_wait3A_27 = tpu.memref_slice %arg2[%add3A_11, %dma_wait3A] : memref<16384x20xi32, #tpu.memory_space<hbm>> -> memref<128x20xi32, #tpu.memory_space<hbm>>
        %dma_wait3A_28 = arith.constant 0 : i32
        %dma_wait3A_29 = tpu.memref_slice %arg2[%add3A_11, %dma_wait3A_28] : memref<16384x20xi32, #tpu.memory_space<hbm>> -> memref<128x20xi32, #tpu.memory_space<hbm>>
        tpu.wait_dma2 semaphore(%run_scoped3A : memref<!tpu.dma_semaphore, #tpu.memory_space<semaphore_mem>>) src(%dma_wait3A_29 : memref<128x20xi32, #tpu.memory_space<hbm>>) dst(%arg5 : memref<128x20xi32, #tpu.memory_space<vmem>>)
        tpu.yield
      }) : () -> ()
      %scan3A_12 = arith.constant 0 : i32
      %scan3A_13 = arith.constant 0 : i32
      %scan3A_14 = arith.constant 8 : i32
      %scan3A_15 = arith.addi %scan3A_13, %scan3A_14 : i32
      %scan3A_16 = arith.constant 1 : i32
      scf.for %scan3A_24 = %scan3A_13 to %scan3A_15 step %scan3A_16  : i32 {
        %mul3A_25 = arith.constant 16 : i32
        %mul3A_26 = arith.muli %scan3A_24, %mul3A_25 : i32
        %add3A_27 = arith.constant 0 : i32
        %add3A_28 = arith.addi %mul3A_26, %add3A_27 : i32
        %dma_start3A = arith.constant 0 : i32
        %dma_start3A_29 = arith.constant 0 : i32
        %dma_start3A_30 = tpu.memref_slice %arg6[%add3A_28, %dma_start3A, %dma_start3A_29] : memref<128x20x16xi32, #tpu.memory_space<vmem>> -> memref<1x20x16xi32, #tpu.memory_space<vmem>>
        %dma_start3A_31 = tpu.memref_squeeze %dma_start3A_30 : memref<1x20x16xi32, #tpu.memory_space<vmem>> -> memref<20x16xi32, #tpu.memory_space<vmem>>
        %dma_start3A_32 = arith.constant 0 : i32
        %dma_start3A_33 = tpu.memref_slice %arg5[%add3A_28, %dma_start3A_32] : memref<128x20xi32, #tpu.memory_space<vmem>> -> memref<1x20xi32, #tpu.memory_space<vmem>>
        %dma_start3A_34 = tpu.memref_squeeze %dma_start3A_33 : memref<1x20xi32, #tpu.memory_space<vmem>> -> memref<20xi32, #tpu.memory_space<vmem>>
        %dma_start3A_35 = arith.constant 0 : i32
        %dma_start3A_36 = arith.constant 0 : i32
        %dma_start3A_37 = tpu.memref_slice %arg3[%dma_start3A_35, %dma_start3A_36] : memref<1000000x16xi32, #tpu.memory_space<hbm>> -> memref<1000000x16xi32, #tpu.memory_space<hbm>>
        tpu.enqueue_indirect_dma source(%dma_start3A_37 : memref<1000000x16xi32, #tpu.memory_space<hbm>>) target(%dma_start3A_31 : memref<20x16xi32, #tpu.memory_space<vmem>>) offsets(%dma_start3A_34 : memref<20xi32, #tpu.memory_space<vmem>>) semaphore(%arg8 : memref<!tpu.dma_semaphore, #tpu.memory_space<semaphore_mem>>)
        %mul3A_38 = arith.constant 16 : i32
        %mul3A_39 = arith.muli %scan3A_24, %mul3A_38 : i32
        %add3A_40 = arith.constant 1 : i32
        %add3A_41 = arith.addi %mul3A_39, %add3A_40 : i32
        %dma_start3A_42 = arith.constant 0 : i32
        %dma_start3A_43 = arith.constant 0 : i32
        %dma_start3A_44 = tpu.memref_slice %arg6[%add3A_41, %dma_start3A_42, %dma_start3A_43] : memref<128x20x16xi32, #tpu.memory_space<vmem>> -> memref<1x20x16xi32, #tpu.memory_space<vmem>>
        %dma_start3A_45 = tpu.memref_squeeze %dma_start3A_44 : memref<1x20x16xi32, #tpu.memory_space<vmem>> -> memref<20x16xi32, #tpu.memory_space<vmem>>
        %dma_start3A_46 = arith.constant 0 : i32
        %dma_start3A_47 = tpu.memref_slice %arg5[%add3A_41, %dma_start3A_46] : memref<128x20xi32, #tpu.memory_space<vmem>> -> memref<1x20xi32, #tpu.memory_space<vmem>>
        %dma_start3A_48 = tpu.memref_squeeze %dma_start3A_47 : memref<1x20xi32, #tpu.memory_space<vmem>> -> memref<20xi32, #tpu.memory_space<vmem>>
        %dma_start3A_49 = arith.constant 0 : i32
        %dma_start3A_50 = arith.constant 0 : i32
        %dma_start3A_51 = tpu.memref_slice %arg3[%dma_start3A_49, %dma_start3A_50] : memref<1000000x16xi32, #tpu.memory_space<hbm>> -> memref<1000000x16xi32, #tpu.memory_space<hbm>>
        tpu.enqueue_indirect_dma source(%dma_start3A_51 : memref<1000000x16xi32, #tpu.memory_space<hbm>>) target(%dma_start3A_45 : memref<20x16xi32, #tpu.memory_space<vmem>>) offsets(%dma_start3A_48 : memref<20xi32, #tpu.memory_space<vmem>>) semaphore(%arg8 : memref<!tpu.dma_semaphore, #tpu.memory_space<semaphore_mem>>)
        %mul3A_52 = arith.constant 16 : i32
        %mul3A_53 = arith.muli %scan3A_24, %mul3A_52 : i32
        %add3A_54 = arith.constant 2 : i32
        %add3A_55 = arith.addi %mul3A_53, %add3A_54 : i32
        %dma_start3A_56 = arith.constant 0 : i32
        %dma_start3A_57 = arith.constant 0 : i32
        %dma_start3A_58 = tpu.memref_slice %arg6[%add3A_55, %dma_start3A_56, %dma_start3A_57] : memref<128x20x16xi32, #tpu.memory_space<vmem>> -> memref<1x20x16xi32, #tpu.memory_space<vmem>>
        %dma_start3A_59 = tpu.memref_squeeze %dma_start3A_58 : memref<1x20x16xi32, #tpu.memory_space<vmem>> -> memref<20x16xi32, #tpu.memory_space<vmem>>
        %dma_start3A_60 = arith.constant 0 : i32
        %dma_start3A_61 = tpu.memref_slice %arg5[%add3A_55, %dma_start3A_60] : memref<128x20xi32, #tpu.memory_space<vmem>> -> memref<1x20xi32, #tpu.memory_space<vmem>>
        %dma_start3A_62 = tpu.memref_squeeze %dma_start3A_61 : memref<1x20xi32, #tpu.memory_space<vmem>> -> memref<20xi32, #tpu.memory_space<vmem>>
        %dma_start3A_63 = arith.constant 0 : i32
        %dma_start3A_64 = arith.constant 0 : i32
        %dma_start3A_65 = tpu.memref_slice %arg3[%dma_start3A_63, %dma_start3A_64] : memref<1000000x16xi32, #tpu.memory_space<hbm>> -> memref<1000000x16xi32, #tpu.memory_space<hbm>>
        tpu.enqueue_indirect_dma source(%dma_start3A_65 : memref<1000000x16xi32, #tpu.memory_space<hbm>>) target(%dma_start3A_59 : memref<20x16xi32, #tpu.memory_space<vmem>>) offsets(%dma_start3A_62 : memref<20xi32, #tpu.memory_space<vmem>>) semaphore(%arg8 : memref<!tpu.dma_semaphore, #tpu.memory_space<semaphore_mem>>)
        %mul3A_66 = arith.constant 16 : i32
        %mul3A_67 = arith.muli %scan3A_24, %mul3A_66 : i32
        %add3A_68 = arith.constant 3 : i32
        %add3A_69 = arith.addi %mul3A_67, %add3A_68 : i32
        %dma_start3A_70 = arith.constant 0 : i32
        %dma_start3A_71 = arith.constant 0 : i32
        %dma_start3A_72 = tpu.memref_slice %arg6[%add3A_69, %dma_start3A_70, %dma_start3A_71] : memref<128x20x16xi32, #tpu.memory_space<vmem>> -> memref<1x20x16xi32, #tpu.memory_space<vmem>>
        %dma_start3A_73 = tpu.memref_squeeze %dma_start3A_72 : memref<1x20x16xi32, #tpu.memory_space<vmem>> -> memref<20x16xi32, #tpu.memory_space<vmem>>
        %dma_start3A_74 = arith.constant 0 : i32
        %dma_start3A_75 = tpu.memref_slice %arg5[%add3A_69, %dma_start3A_74] : memref<128x20xi32, #tpu.memory_space<vmem>> -> memref<1x20xi32, #tpu.memory_space<vmem>>
        %dma_start3A_76 = tpu.memref_squeeze %dma_start3A_75 : memref<1x20xi32, #tpu.memory_space<vmem>> -> memref<20xi32, #tpu.memory_space<vmem>>
        %dma_start3A_77 = arith.constant 0 : i32
        %dma_start3A_78 = arith.constant 0 : i32
        %dma_start3A_79 = tpu.memref_slice %arg3[%dma_start3A_77, %dma_start3A_78] : memref<1000000x16xi32, #tpu.memory_space<hbm>> -> memref<1000000x16xi32, #tpu.memory_space<hbm>>
        tpu.enqueue_indirect_dma source(%dma_start3A_79 : memref<1000000x16xi32, #tpu.memory_space<hbm>>) target(%dma_start3A_73 : memref<20x16xi32, #tpu.memory_space<vmem>>) offsets(%dma_start3A_76 : memref<20xi32, #tpu.memory_space<vmem>>) semaphore(%arg8 : memref<!tpu.dma_semaphore, #tpu.memory_space<semaphore_mem>>)
        %mul3A_80 = arith.constant 16 : i32
        %mul3A_81 = arith.muli %scan3A_24, %mul3A_80 : i32
        %add3A_82 = arith.constant 4 : i32
        %add3A_83 = arith.addi %mul3A_81, %add3A_82 : i32
        %dma_start3A_84 = arith.constant 0 : i32
        %dma_start3A_85 = arith.constant 0 : i32
        %dma_start3A_86 = tpu.memref_slice %arg6[%add3A_83, %dma_start3A_84, %dma_start3A_85] : memref<128x20x16xi32, #tpu.memory_space<vmem>> -> memref<1x20x16xi32, #tpu.memory_space<vmem>>
        %dma_start3A_87 = tpu.memref_squeeze %dma_start3A_86 : memref<1x20x16xi32, #tpu.memory_space<vmem>> -> memref<20x16xi32, #tpu.memory_space<vmem>>
        %dma_start3A_88 = arith.constant 0 : i32
        %dma_start3A_89 = tpu.memref_slice %arg5[%add3A_83, %dma_start3A_88] : memref<128x20xi32, #tpu.memory_space<vmem>> -> memref<1x20xi32, #tpu.memory_space<vmem>>
        %dma_start3A_90 = tpu.memref_squeeze %dma_start3A_89 : memref<1x20xi32, #tpu.memory_space<vmem>> -> memref<20xi32, #tpu.memory_space<vmem>>
        %dma_start3A_91 = arith.constant 0 : i32
        %dma_start3A_92 = arith.constant 0 : i32
        %dma_start3A_93 = tpu.memref_slice %arg3[%dma_start3A_91, %dma_start3A_92] : memref<1000000x16xi32, #tpu.memory_space<hbm>> -> memref<1000000x16xi32, #tpu.memory_space<hbm>>
        tpu.enqueue_indirect_dma source(%dma_start3A_93 : memref<1000000x16xi32, #tpu.memory_space<hbm>>) target(%dma_start3A_87 : memref<20x16xi32, #tpu.memory_space<vmem>>) offsets(%dma_start3A_90 : memref<20xi32, #tpu.memory_space<vmem>>) semaphore(%arg8 : memref<!tpu.dma_semaphore, #tpu.memory_space<semaphore_mem>>)
        %mul3A_94 = arith.constant 16 : i32
        %mul3A_95 = arith.muli %scan3A_24, %mul3A_94 : i32
        %add3A_96 = arith.constant 5 : i32
        %add3A_97 = arith.addi %mul3A_95, %add3A_96 : i32
        %dma_start3A_98 = arith.constant 0 : i32
        %dma_start3A_99 = arith.constant 0 : i32
        %dma_start3A_100 = tpu.memref_slice %arg6[%add3A_97, %dma_start3A_98, %dma_start3A_99] : memref<128x20x16xi32, #tpu.memory_space<vmem>> -> memref<1x20x16xi32, #tpu.memory_space<vmem>>
        %dma_start3A_101 = tpu.memref_squeeze %dma_start3A_100 : memref<1x20x16xi32, #tpu.memory_space<vmem>> -> memref<20x16xi32, #tpu.memory_space<vmem>>
        %dma_start3A_102 = arith.constant 0 : i32
        %dma_start3A_103 = tpu.memref_slice %arg5[%add3A_97, %dma_start3A_102] : memref<128x20xi32, #tpu.memory_space<vmem>> -> memref<1x20xi32, #tpu.memory_space<vmem>>
        %dma_start3A_104 = tpu.memref_squeeze %dma_start3A_103 : memref<1x20xi32, #tpu.memory_space<vmem>> -> memref<20xi32, #tpu.memory_space<vmem>>
        %dma_start3A_105 = arith.constant 0 : i32
        %dma_start3A_106 = arith.constant 0 : i32
        %dma_start3A_107 = tpu.memref_slice %arg3[%dma_start3A_105, %dma_start3A_106] : memref<1000000x16xi32, #tpu.memory_space<hbm>> -> memref<1000000x16xi32, #tpu.memory_space<hbm>>
        tpu.enqueue_indirect_dma source(%dma_start3A_107 : memref<1000000x16xi32, #tpu.memory_space<hbm>>) target(%dma_start3A_101 : memref<20x16xi32, #tpu.memory_space<vmem>>) offsets(%dma_start3A_104 : memref<20xi32, #tpu.memory_space<vmem>>) semaphore(%arg8 : memref<!tpu.dma_semaphore, #tpu.memory_space<semaphore_mem>>)
        %mul3A_108 = arith.constant 16 : i32
        %mul3A_109 = arith.muli %scan3A_24, %mul3A_108 : i32
        %add3A_110 = arith.constant 6 : i32
        %add3A_111 = arith.addi %mul3A_109, %add3A_110 : i32
        %dma_start3A_112 = arith.constant 0 : i32
        %dma_start3A_113 = arith.constant 0 : i32
        %dma_start3A_114 = tpu.memref_slice %arg6[%add3A_111, %dma_start3A_112, %dma_start3A_113] : memref<128x20x16xi32, #tpu.memory_space<vmem>> -> memref<1x20x16xi32, #tpu.memory_space<vmem>>
        %dma_start3A_115 = tpu.memref_squeeze %dma_start3A_114 : memref<1x20x16xi32, #tpu.memory_space<vmem>> -> memref<20x16xi32, #tpu.memory_space<vmem>>
        %dma_start3A_116 = arith.constant 0 : i32
        %dma_start3A_117 = tpu.memref_slice %arg5[%add3A_111, %dma_start3A_116] : memref<128x20xi32, #tpu.memory_space<vmem>> -> memref<1x20xi32, #tpu.memory_space<vmem>>
        %dma_start3A_118 = tpu.memref_squeeze %dma_start3A_117 : memref<1x20xi32, #tpu.memory_space<vmem>> -> memref<20xi32, #tpu.memory_space<vmem>>
        %dma_start3A_119 = arith.constant 0 : i32
        %dma_start3A_120 = arith.constant 0 : i32
        %dma_start3A_121 = tpu.memref_slice %arg3[%dma_start3A_119, %dma_start3A_120] : memref<1000000x16xi32, #tpu.memory_space<hbm>> -> memref<1000000x16xi32, #tpu.memory_space<hbm>>
        tpu.enqueue_indirect_dma source(%dma_start3A_121 : memref<1000000x16xi32, #tpu.memory_space<hbm>>) target(%dma_start3A_115 : memref<20x16xi32, #tpu.memory_space<vmem>>) offsets(%dma_start3A_118 : memref<20xi32, #tpu.memory_space<vmem>>) semaphore(%arg8 : memref<!tpu.dma_semaphore, #tpu.memory_space<semaphore_mem>>)
        %mul3A_122 = arith.constant 16 : i32
        %mul3A_123 = arith.muli %scan3A_24, %mul3A_122 : i32
        %add3A_124 = arith.constant 7 : i32
        %add3A_125 = arith.addi %mul3A_123, %add3A_124 : i32
        %dma_start3A_126 = arith.constant 0 : i32
        %dma_start3A_127 = arith.constant 0 : i32
        %dma_start3A_128 = tpu.memref_slice %arg6[%add3A_125, %dma_start3A_126, %dma_start3A_127] : memref<128x20x16xi32, #tpu.memory_space<vmem>> -> memref<1x20x16xi32, #tpu.memory_space<vmem>>
        %dma_start3A_129 = tpu.memref_squeeze %dma_start3A_128 : memref<1x20x16xi32, #tpu.memory_space<vmem>> -> memref<20x16xi32, #tpu.memory_space<vmem>>
        %dma_start3A_130 = arith.constant 0 : i32
        %dma_start3A_131 = tpu.memref_slice %arg5[%add3A_125, %dma_start3A_130] : memref<128x20xi32, #tpu.memory_space<vmem>> -> memref<1x20xi32, #tpu.memory_space<vmem>>
        %dma_start3A_132 = tpu.memref_squeeze %dma_start3A_131 : memref<1x20xi32, #tpu.memory_space<vmem>> -> memref<20xi32, #tpu.memory_space<vmem>>
        %dma_start3A_133 = arith.constant 0 : i32
        %dma_start3A_134 = arith.constant 0 : i32
        %dma_start3A_135 = tpu.memref_slice %arg3[%dma_start3A_133, %dma_start3A_134] : memref<1000000x16xi32, #tpu.memory_space<hbm>> -> memref<1000000x16xi32, #tpu.memory_space<hbm>>
        tpu.enqueue_indirect_dma source(%dma_start3A_135 : memref<1000000x16xi32, #tpu.memory_space<hbm>>) target(%dma_start3A_129 : memref<20x16xi32, #tpu.memory_space<vmem>>) offsets(%dma_start3A_132 : memref<20xi32, #tpu.memory_space<vmem>>) semaphore(%arg8 : memref<!tpu.dma_semaphore, #tpu.memory_space<semaphore_mem>>)
        %mul3A_136 = arith.constant 16 : i32
        %mul3A_137 = arith.muli %scan3A_24, %mul3A_136 : i32
        %add3A_138 = arith.constant 8 : i32
        %add3A_139 = arith.addi %mul3A_137, %add3A_138 : i32
        %dma_start3A_140 = arith.constant 0 : i32
        %dma_start3A_141 = arith.constant 0 : i32
        %dma_start3A_142 = tpu.memref_slice %arg6[%add3A_139, %dma_start3A_140, %dma_start3A_141] : memref<128x20x16xi32, #tpu.memory_space<vmem>> -> memref<1x20x16xi32, #tpu.memory_space<vmem>>
        %dma_start3A_143 = tpu.memref_squeeze %dma_start3A_142 : memref<1x20x16xi32, #tpu.memory_space<vmem>> -> memref<20x16xi32, #tpu.memory_space<vmem>>
        %dma_start3A_144 = arith.constant 0 : i32
        %dma_start3A_145 = tpu.memref_slice %arg5[%add3A_139, %dma_start3A_144] : memref<128x20xi32, #tpu.memory_space<vmem>> -> memref<1x20xi32, #tpu.memory_space<vmem>>
        %dma_start3A_146 = tpu.memref_squeeze %dma_start3A_145 : memref<1x20xi32, #tpu.memory_space<vmem>> -> memref<20xi32, #tpu.memory_space<vmem>>
        %dma_start3A_147 = arith.constant 0 : i32
        %dma_start3A_148 = arith.constant 0 : i32
        %dma_start3A_149 = tpu.memref_slice %arg3[%dma_start3A_147, %dma_start3A_148] : memref<1000000x16xi32, #tpu.memory_space<hbm>> -> memref<1000000x16xi32, #tpu.memory_space<hbm>>
        tpu.enqueue_indirect_dma source(%dma_start3A_149 : memref<1000000x16xi32, #tpu.memory_space<hbm>>) target(%dma_start3A_143 : memref<20x16xi32, #tpu.memory_space<vmem>>) offsets(%dma_start3A_146 : memref<20xi32, #tpu.memory_space<vmem>>) semaphore(%arg8 : memref<!tpu.dma_semaphore, #tpu.memory_space<semaphore_mem>>)
        %mul3A_150 = arith.constant 16 : i32
        %mul3A_151 = arith.muli %scan3A_24, %mul3A_150 : i32
        %add3A_152 = arith.constant 9 : i32
        %add3A_153 = arith.addi %mul3A_151, %add3A_152 : i32
        %dma_start3A_154 = arith.constant 0 : i32
        %dma_start3A_155 = arith.constant 0 : i32
        %dma_start3A_156 = tpu.memref_slice %arg6[%add3A_153, %dma_start3A_154, %dma_start3A_155] : memref<128x20x16xi32, #tpu.memory_space<vmem>> -> memref<1x20x16xi32, #tpu.memory_space<vmem>>
        %dma_start3A_157 = tpu.memref_squeeze %dma_start3A_156 : memref<1x20x16xi32, #tpu.memory_space<vmem>> -> memref<20x16xi32, #tpu.memory_space<vmem>>
        %dma_start3A_158 = arith.constant 0 : i32
        %dma_start3A_159 = tpu.memref_slice %arg5[%add3A_153, %dma_start3A_158] : memref<128x20xi32, #tpu.memory_space<vmem>> -> memref<1x20xi32, #tpu.memory_space<vmem>>
        %dma_start3A_160 = tpu.memref_squeeze %dma_start3A_159 : memref<1x20xi32, #tpu.memory_space<vmem>> -> memref<20xi32, #tpu.memory_space<vmem>>
        %dma_start3A_161 = arith.constant 0 : i32
        %dma_start3A_162 = arith.constant 0 : i32
        %dma_start3A_163 = tpu.memref_slice %arg3[%dma_start3A_161, %dma_start3A_162] : memref<1000000x16xi32, #tpu.memory_space<hbm>> -> memref<1000000x16xi32, #tpu.memory_space<hbm>>
        tpu.enqueue_indirect_dma source(%dma_start3A_163 : memref<1000000x16xi32, #tpu.memory_space<hbm>>) target(%dma_start3A_157 : memref<20x16xi32, #tpu.memory_space<vmem>>) offsets(%dma_start3A_160 : memref<20xi32, #tpu.memory_space<vmem>>) semaphore(%arg8 : memref<!tpu.dma_semaphore, #tpu.memory_space<semaphore_mem>>)
        %mul3A_164 = arith.constant 16 : i32
        %mul3A_165 = arith.muli %scan3A_24, %mul3A_164 : i32
        %add3A_166 = arith.constant 10 : i32
        %add3A_167 = arith.addi %mul3A_165, %add3A_166 : i32
        %dma_start3A_168 = arith.constant 0 : i32
        %dma_start3A_169 = arith.constant 0 : i32
        %dma_start3A_170 = tpu.memref_slice %arg6[%add3A_167, %dma_start3A_168, %dma_start3A_169] : memref<128x20x16xi32, #tpu.memory_space<vmem>> -> memref<1x20x16xi32, #tpu.memory_space<vmem>>
        %dma_start3A_171 = tpu.memref_squeeze %dma_start3A_170 : memref<1x20x16xi32, #tpu.memory_space<vmem>> -> memref<20x16xi32, #tpu.memory_space<vmem>>
        %dma_start3A_172 = arith.constant 0 : i32
        %dma_start3A_173 = tpu.memref_slice %arg5[%add3A_167, %dma_start3A_172] : memref<128x20xi32, #tpu.memory_space<vmem>> -> memref<1x20xi32, #tpu.memory_space<vmem>>
        %dma_start3A_174 = tpu.memref_squeeze %dma_start3A_173 : memref<1x20xi32, #tpu.memory_space<vmem>> -> memref<20xi32, #tpu.memory_space<vmem>>
        %dma_start3A_175 = arith.constant 0 : i32
        %dma_start3A_176 = arith.constant 0 : i32
        %dma_start3A_177 = tpu.memref_slice %arg3[%dma_start3A_175, %dma_start3A_176] : memref<1000000x16xi32, #tpu.memory_space<hbm>> -> memref<1000000x16xi32, #tpu.memory_space<hbm>>
        tpu.enqueue_indirect_dma source(%dma_start3A_177 : memref<1000000x16xi32, #tpu.memory_space<hbm>>) target(%dma_start3A_171 : memref<20x16xi32, #tpu.memory_space<vmem>>) offsets(%dma_start3A_174 : memref<20xi32, #tpu.memory_space<vmem>>) semaphore(%arg8 : memref<!tpu.dma_semaphore, #tpu.memory_space<semaphore_mem>>)
        %mul3A_178 = arith.constant 16 : i32
        %mul3A_179 = arith.muli %scan3A_24, %mul3A_178 : i32
        %add3A_180 = arith.constant 11 : i32
        %add3A_181 = arith.addi %mul3A_179, %add3A_180 : i32
        %dma_start3A_182 = arith.constant 0 : i32
        %dma_start3A_183 = arith.constant 0 : i32
        %dma_start3A_184 = tpu.memref_slice %arg6[%add3A_181, %dma_start3A_182, %dma_start3A_183] : memref<128x20x16xi32, #tpu.memory_space<vmem>> -> memref<1x20x16xi32, #tpu.memory_space<vmem>>
        %dma_start3A_185 = tpu.memref_squeeze %dma_start3A_184 : memref<1x20x16xi32, #tpu.memory_space<vmem>> -> memref<20x16xi32, #tpu.memory_space<vmem>>
        %dma_start3A_186 = arith.constant 0 : i32
        %dma_start3A_187 = tpu.memref_slice %arg5[%add3A_181, %dma_start3A_186] : memref<128x20xi32, #tpu.memory_space<vmem>> -> memref<1x20xi32, #tpu.memory_space<vmem>>
        %dma_start3A_188 = tpu.memref_squeeze %dma_start3A_187 : memref<1x20xi32, #tpu.memory_space<vmem>> -> memref<20xi32, #tpu.memory_space<vmem>>
        %dma_start3A_189 = arith.constant 0 : i32
        %dma_start3A_190 = arith.constant 0 : i32
        %dma_start3A_191 = tpu.memref_slice %arg3[%dma_start3A_189, %dma_start3A_190] : memref<1000000x16xi32, #tpu.memory_space<hbm>> -> memref<1000000x16xi32, #tpu.memory_space<hbm>>
        tpu.enqueue_indirect_dma source(%dma_start3A_191 : memref<1000000x16xi32, #tpu.memory_space<hbm>>) target(%dma_start3A_185 : memref<20x16xi32, #tpu.memory_space<vmem>>) offsets(%dma_start3A_188 : memref<20xi32, #tpu.memory_space<vmem>>) semaphore(%arg8 : memref<!tpu.dma_semaphore, #tpu.memory_space<semaphore_mem>>)
        %mul3A_192 = arith.constant 16 : i32
        %mul3A_193 = arith.muli %scan3A_24, %mul3A_192 : i32
        %add3A_194 = arith.constant 12 : i32
        %add3A_195 = arith.addi %mul3A_193, %add3A_194 : i32
        %dma_start3A_196 = arith.constant 0 : i32
        %dma_start3A_197 = arith.constant 0 : i32
        %dma_start3A_198 = tpu.memref_slice %arg6[%add3A_195, %dma_start3A_196, %dma_start3A_197] : memref<128x20x16xi32, #tpu.memory_space<vmem>> -> memref<1x20x16xi32, #tpu.memory_space<vmem>>
        %dma_start3A_199 = tpu.memref_squeeze %dma_start3A_198 : memref<1x20x16xi32, #tpu.memory_space<vmem>> -> memref<20x16xi32, #tpu.memory_space<vmem>>
        %dma_start3A_200 = arith.constant 0 : i32
        %dma_start3A_201 = tpu.memref_slice %arg5[%add3A_195, %dma_start3A_200] : memref<128x20xi32, #tpu.memory_space<vmem>> -> memref<1x20xi32, #tpu.memory_space<vmem>>
        %dma_start3A_202 = tpu.memref_squeeze %dma_start3A_201 : memref<1x20xi32, #tpu.memory_space<vmem>> -> memref<20xi32, #tpu.memory_space<vmem>>
        %dma_start3A_203 = arith.constant 0 : i32
        %dma_start3A_204 = arith.constant 0 : i32
        %dma_start3A_205 = tpu.memref_slice %arg3[%dma_start3A_203, %dma_start3A_204] : memref<1000000x16xi32, #tpu.memory_space<hbm>> -> memref<1000000x16xi32, #tpu.memory_space<hbm>>
        tpu.enqueue_indirect_dma source(%dma_start3A_205 : memref<1000000x16xi32, #tpu.memory_space<hbm>>) target(%dma_start3A_199 : memref<20x16xi32, #tpu.memory_space<vmem>>) offsets(%dma_start3A_202 : memref<20xi32, #tpu.memory_space<vmem>>) semaphore(%arg8 : memref<!tpu.dma_semaphore, #tpu.memory_space<semaphore_mem>>)
        %mul3A_206 = arith.constant 16 : i32
        %mul3A_207 = arith.muli %scan3A_24, %mul3A_206 : i32
        %add3A_208 = arith.constant 13 : i32
        %add3A_209 = arith.addi %mul3A_207, %add3A_208 : i32
        %dma_start3A_210 = arith.constant 0 : i32
        %dma_start3A_211 = arith.constant 0 : i32
        %dma_start3A_212 = tpu.memref_slice %arg6[%add3A_209, %dma_start3A_210, %dma_start3A_211] : memref<128x20x16xi32, #tpu.memory_space<vmem>> -> memref<1x20x16xi32, #tpu.memory_space<vmem>>
        %dma_start3A_213 = tpu.memref_squeeze %dma_start3A_212 : memref<1x20x16xi32, #tpu.memory_space<vmem>> -> memref<20x16xi32, #tpu.memory_space<vmem>>
        %dma_start3A_214 = arith.constant 0 : i32
        %dma_start3A_215 = tpu.memref_slice %arg5[%add3A_209, %dma_start3A_214] : memref<128x20xi32, #tpu.memory_space<vmem>> -> memref<1x20xi32, #tpu.memory_space<vmem>>
        %dma_start3A_216 = tpu.memref_squeeze %dma_start3A_215 : memref<1x20xi32, #tpu.memory_space<vmem>> -> memref<20xi32, #tpu.memory_space<vmem>>
        %dma_start3A_217 = arith.constant 0 : i32
        %dma_start3A_218 = arith.constant 0 : i32
        %dma_start3A_219 = tpu.memref_slice %arg3[%dma_start3A_217, %dma_start3A_218] : memref<1000000x16xi32, #tpu.memory_space<hbm>> -> memref<1000000x16xi32, #tpu.memory_space<hbm>>
        tpu.enqueue_indirect_dma source(%dma_start3A_219 : memref<1000000x16xi32, #tpu.memory_space<hbm>>) target(%dma_start3A_213 : memref<20x16xi32, #tpu.memory_space<vmem>>) offsets(%dma_start3A_216 : memref<20xi32, #tpu.memory_space<vmem>>) semaphore(%arg8 : memref<!tpu.dma_semaphore, #tpu.memory_space<semaphore_mem>>)
        %mul3A_220 = arith.constant 16 : i32
        %mul3A_221 = arith.muli %scan3A_24, %mul3A_220 : i32
        %add3A_222 = arith.constant 14 : i32
        %add3A_223 = arith.addi %mul3A_221, %add3A_222 : i32
        %dma_start3A_224 = arith.constant 0 : i32
        %dma_start3A_225 = arith.constant 0 : i32
        %dma_start3A_226 = tpu.memref_slice %arg6[%add3A_223, %dma_start3A_224, %dma_start3A_225] : memref<128x20x16xi32, #tpu.memory_space<vmem>> -> memref<1x20x16xi32, #tpu.memory_space<vmem>>
        %dma_start3A_227 = tpu.memref_squeeze %dma_start3A_226 : memref<1x20x16xi32, #tpu.memory_space<vmem>> -> memref<20x16xi32, #tpu.memory_space<vmem>>
        %dma_start3A_228 = arith.constant 0 : i32
        %dma_start3A_229 = tpu.memref_slice %arg5[%add3A_223, %dma_start3A_228] : memref<128x20xi32, #tpu.memory_space<vmem>> -> memref<1x20xi32, #tpu.memory_space<vmem>>
        %dma_start3A_230 = tpu.memref_squeeze %dma_start3A_229 : memref<1x20xi32, #tpu.memory_space<vmem>> -> memref<20xi32, #tpu.memory_space<vmem>>
        %dma_start3A_231 = arith.constant 0 : i32
        %dma_start3A_232 = arith.constant 0 : i32
        %dma_start3A_233 = tpu.memref_slice %arg3[%dma_start3A_231, %dma_start3A_232] : memref<1000000x16xi32, #tpu.memory_space<hbm>> -> memref<1000000x16xi32, #tpu.memory_space<hbm>>
        tpu.enqueue_indirect_dma source(%dma_start3A_233 : memref<1000000x16xi32, #tpu.memory_space<hbm>>) target(%dma_start3A_227 : memref<20x16xi32, #tpu.memory_space<vmem>>) offsets(%dma_start3A_230 : memref<20xi32, #tpu.memory_space<vmem>>) semaphore(%arg8 : memref<!tpu.dma_semaphore, #tpu.memory_space<semaphore_mem>>)
        %mul3A_234 = arith.constant 16 : i32
        %mul3A_235 = arith.muli %scan3A_24, %mul3A_234 : i32
        %add3A_236 = arith.constant 15 : i32
        %add3A_237 = arith.addi %mul3A_235, %add3A_236 : i32
        %dma_start3A_238 = arith.constant 0 : i32
        %dma_start3A_239 = arith.constant 0 : i32
        %dma_start3A_240 = tpu.memref_slice %arg6[%add3A_237, %dma_start3A_238, %dma_start3A_239] : memref<128x20x16xi32, #tpu.memory_space<vmem>> -> memref<1x20x16xi32, #tpu.memory_space<vmem>>
        %dma_start3A_241 = tpu.memref_squeeze %dma_start3A_240 : memref<1x20x16xi32, #tpu.memory_space<vmem>> -> memref<20x16xi32, #tpu.memory_space<vmem>>
        %dma_start3A_242 = arith.constant 0 : i32
        %dma_start3A_243 = tpu.memref_slice %arg5[%add3A_237, %dma_start3A_242] : memref<128x20xi32, #tpu.memory_space<vmem>> -> memref<1x20xi32, #tpu.memory_space<vmem>>
        %dma_start3A_244 = tpu.memref_squeeze %dma_start3A_243 : memref<1x20xi32, #tpu.memory_space<vmem>> -> memref<20xi32, #tpu.memory_space<vmem>>
        %dma_start3A_245 = arith.constant 0 : i32
        %dma_start3A_246 = arith.constant 0 : i32
        %dma_start3A_247 = tpu.memref_slice %arg3[%dma_start3A_245, %dma_start3A_246] : memref<1000000x16xi32, #tpu.memory_space<hbm>> -> memref<1000000x16xi32, #tpu.memory_space<hbm>>
        tpu.enqueue_indirect_dma source(%dma_start3A_247 : memref<1000000x16xi32, #tpu.memory_space<hbm>>) target(%dma_start3A_241 : memref<20x16xi32, #tpu.memory_space<vmem>>) offsets(%dma_start3A_244 : memref<20xi32, #tpu.memory_space<vmem>>) semaphore(%arg8 : memref<!tpu.dma_semaphore, #tpu.memory_space<semaphore_mem>>)
        %dma_wait3A = arith.constant 0 : i32
        %dma_wait3A_248 = arith.constant 0 : i32
        %dma_wait3A_249 = tpu.memref_slice %arg6[%add3A_28, %dma_wait3A, %dma_wait3A_248] : memref<128x20x16xi32, #tpu.memory_space<vmem>> -> memref<1x20x16xi32, #tpu.memory_space<vmem>>
        %dma_wait3A_250 = tpu.memref_squeeze %dma_wait3A_249 : memref<1x20x16xi32, #tpu.memory_space<vmem>> -> memref<20x16xi32, #tpu.memory_space<vmem>>
        %dma_wait3A_251 = arith.constant 0 : i32
        %dma_wait3A_252 = tpu.memref_slice %arg5[%add3A_28, %dma_wait3A_251] : memref<128x20xi32, #tpu.memory_space<vmem>> -> memref<1x20xi32, #tpu.memory_space<vmem>>
        %dma_wait3A_253 = tpu.memref_squeeze %dma_wait3A_252 : memref<1x20xi32, #tpu.memory_space<vmem>> -> memref<20xi32, #tpu.memory_space<vmem>>
        %dma_wait3A_254 = arith.constant 0 : i32
        %dma_wait3A_255 = arith.constant 0 : i32
        %dma_wait3A_256 = tpu.memref_slice %arg3[%dma_wait3A_254, %dma_wait3A_255] : memref<1000000x16xi32, #tpu.memory_space<hbm>> -> memref<1000000x16xi32, #tpu.memory_space<hbm>>
        tpu.wait_indirect_dma semaphore(%arg8 : memref<!tpu.dma_semaphore, #tpu.memory_space<semaphore_mem>>) src(%dma_wait3A_256 : memref<1000000x16xi32, #tpu.memory_space<hbm>>) dst(%dma_wait3A_250 : memref<20x16xi32, #tpu.memory_space<vmem>>)
        %dma_wait3A_257 = arith.constant 0 : i32
        %dma_wait3A_258 = arith.constant 0 : i32
        %dma_wait3A_259 = tpu.memref_slice %arg6[%add3A_41, %dma_wait3A_257, %dma_wait3A_258] : memref<128x20x16xi32, #tpu.memory_space<vmem>> -> memref<1x20x16xi32, #tpu.memory_space<vmem>>
        %dma_wait3A_260 = tpu.memref_squeeze %dma_wait3A_259 : memref<1x20x16xi32, #tpu.memory_space<vmem>> -> memref<20x16xi32, #tpu.memory_space<vmem>>
        %dma_wait3A_261 = arith.constant 0 : i32
        %dma_wait3A_262 = tpu.memref_slice %arg5[%add3A_41, %dma_wait3A_261] : memref<128x20xi32, #tpu.memory_space<vmem>> -> memref<1x20xi32, #tpu.memory_space<vmem>>
        %dma_wait3A_263 = tpu.memref_squeeze %dma_wait3A_262 : memref<1x20xi32, #tpu.memory_space<vmem>> -> memref<20xi32, #tpu.memory_space<vmem>>
        %dma_wait3A_264 = arith.constant 0 : i32
        %dma_wait3A_265 = arith.constant 0 : i32
        %dma_wait3A_266 = tpu.memref_slice %arg3[%dma_wait3A_264, %dma_wait3A_265] : memref<1000000x16xi32, #tpu.memory_space<hbm>> -> memref<1000000x16xi32, #tpu.memory_space<hbm>>
        tpu.wait_indirect_dma semaphore(%arg8 : memref<!tpu.dma_semaphore, #tpu.memory_space<semaphore_mem>>) src(%dma_wait3A_266 : memref<1000000x16xi32, #tpu.memory_space<hbm>>) dst(%dma_wait3A_260 : memref<20x16xi32, #tpu.memory_space<vmem>>)
        %dma_wait3A_267 = arith.constant 0 : i32
        %dma_wait3A_268 = arith.constant 0 : i32
        %dma_wait3A_269 = tpu.memref_slice %arg6[%add3A_55, %dma_wait3A_267, %dma_wait3A_268] : memref<128x20x16xi32, #tpu.memory_space<vmem>> -> memref<1x20x16xi32, #tpu.memory_space<vmem>>
        %dma_wait3A_270 = tpu.memref_squeeze %dma_wait3A_269 : memref<1x20x16xi32, #tpu.memory_space<vmem>> -> memref<20x16xi32, #tpu.memory_space<vmem>>
        %dma_wait3A_271 = arith.constant 0 : i32
        %dma_wait3A_272 = tpu.memref_slice %arg5[%add3A_55, %dma_wait3A_271] : memref<128x20xi32, #tpu.memory_space<vmem>> -> memref<1x20xi32, #tpu.memory_space<vmem>>
        %dma_wait3A_273 = tpu.memref_squeeze %dma_wait3A_272 : memref<1x20xi32, #tpu.memory_space<vmem>> -> memref<20xi32, #tpu.memory_space<vmem>>
        %dma_wait3A_274 = arith.constant 0 : i32
        %dma_wait3A_275 = arith.constant 0 : i32
        %dma_wait3A_276 = tpu.memref_slice %arg3[%dma_wait3A_274, %dma_wait3A_275] : memref<1000000x16xi32, #tpu.memory_space<hbm>> -> memref<1000000x16xi32, #tpu.memory_space<hbm>>
        tpu.wait_indirect_dma semaphore(%arg8 : memref<!tpu.dma_semaphore, #tpu.memory_space<semaphore_mem>>) src(%dma_wait3A_276 : memref<1000000x16xi32, #tpu.memory_space<hbm>>) dst(%dma_wait3A_270 : memref<20x16xi32, #tpu.memory_space<vmem>>)
        %dma_wait3A_277 = arith.constant 0 : i32
        %dma_wait3A_278 = arith.constant 0 : i32
        %dma_wait3A_279 = tpu.memref_slice %arg6[%add3A_69, %dma_wait3A_277, %dma_wait3A_278] : memref<128x20x16xi32, #tpu.memory_space<vmem>> -> memref<1x20x16xi32, #tpu.memory_space<vmem>>
        %dma_wait3A_280 = tpu.memref_squeeze %dma_wait3A_279 : memref<1x20x16xi32, #tpu.memory_space<vmem>> -> memref<20x16xi32, #tpu.memory_space<vmem>>
        %dma_wait3A_281 = arith.constant 0 : i32
        %dma_wait3A_282 = tpu.memref_slice %arg5[%add3A_69, %dma_wait3A_281] : memref<128x20xi32, #tpu.memory_space<vmem>> -> memref<1x20xi32, #tpu.memory_space<vmem>>
        %dma_wait3A_283 = tpu.memref_squeeze %dma_wait3A_282 : memref<1x20xi32, #tpu.memory_space<vmem>> -> memref<20xi32, #tpu.memory_space<vmem>>
        %dma_wait3A_284 = arith.constant 0 : i32
        %dma_wait3A_285 = arith.constant 0 : i32
        %dma_wait3A_286 = tpu.memref_slice %arg3[%dma_wait3A_284, %dma_wait3A_285] : memref<1000000x16xi32, #tpu.memory_space<hbm>> -> memref<1000000x16xi32, #tpu.memory_space<hbm>>
        tpu.wait_indirect_dma semaphore(%arg8 : memref<!tpu.dma_semaphore, #tpu.memory_space<semaphore_mem>>) src(%dma_wait3A_286 : memref<1000000x16xi32, #tpu.memory_space<hbm>>) dst(%dma_wait3A_280 : memref<20x16xi32, #tpu.memory_space<vmem>>)
        %dma_wait3A_287 = arith.constant 0 : i32
        %dma_wait3A_288 = arith.constant 0 : i32
        %dma_wait3A_289 = tpu.memref_slice %arg6[%add3A_83, %dma_wait3A_287, %dma_wait3A_288] : memref<128x20x16xi32, #tpu.memory_space<vmem>> -> memref<1x20x16xi32, #tpu.memory_space<vmem>>
        %dma_wait3A_290 = tpu.memref_squeeze %dma_wait3A_289 : memref<1x20x16xi32, #tpu.memory_space<vmem>> -> memref<20x16xi32, #tpu.memory_space<vmem>>
        %dma_wait3A_291 = arith.constant 0 : i32
        %dma_wait3A_292 = tpu.memref_slice %arg5[%add3A_83, %dma_wait3A_291] : memref<128x20xi32, #tpu.memory_space<vmem>> -> memref<1x20xi32, #tpu.memory_space<vmem>>
        %dma_wait3A_293 = tpu.memref_squeeze %dma_wait3A_292 : memref<1x20xi32, #tpu.memory_space<vmem>> -> memref<20xi32, #tpu.memory_space<vmem>>
        %dma_wait3A_294 = arith.constant 0 : i32
        %dma_wait3A_295 = arith.constant 0 : i32
        %dma_wait3A_296 = tpu.memref_slice %arg3[%dma_wait3A_294, %dma_wait3A_295] : memref<1000000x16xi32, #tpu.memory_space<hbm>> -> memref<1000000x16xi32, #tpu.memory_space<hbm>>
        tpu.wait_indirect_dma semaphore(%arg8 : memref<!tpu.dma_semaphore, #tpu.memory_space<semaphore_mem>>) src(%dma_wait3A_296 : memref<1000000x16xi32, #tpu.memory_space<hbm>>) dst(%dma_wait3A_290 : memref<20x16xi32, #tpu.memory_space<vmem>>)
        %dma_wait3A_297 = arith.constant 0 : i32
        %dma_wait3A_298 = arith.constant 0 : i32
        %dma_wait3A_299 = tpu.memref_slice %arg6[%add3A_97, %dma_wait3A_297, %dma_wait3A_298] : memref<128x20x16xi32, #tpu.memory_space<vmem>> -> memref<1x20x16xi32, #tpu.memory_space<vmem>>
        %dma_wait3A_300 = tpu.memref_squeeze %dma_wait3A_299 : memref<1x20x16xi32, #tpu.memory_space<vmem>> -> memref<20x16xi32, #tpu.memory_space<vmem>>
        %dma_wait3A_301 = arith.constant 0 : i32
        %dma_wait3A_302 = tpu.memref_slice %arg5[%add3A_97, %dma_wait3A_301] : memref<128x20xi32, #tpu.memory_space<vmem>> -> memref<1x20xi32, #tpu.memory_space<vmem>>
        %dma_wait3A_303 = tpu.memref_squeeze %dma_wait3A_302 : memref<1x20xi32, #tpu.memory_space<vmem>> -> memref<20xi32, #tpu.memory_space<vmem>>
        %dma_wait3A_304 = arith.constant 0 : i32
        %dma_wait3A_305 = arith.constant 0 : i32
        %dma_wait3A_306 = tpu.memref_slice %arg3[%dma_wait3A_304, %dma_wait3A_305] : memref<1000000x16xi32, #tpu.memory_space<hbm>> -> memref<1000000x16xi32, #tpu.memory_space<hbm>>
        tpu.wait_indirect_dma semaphore(%arg8 : memref<!tpu.dma_semaphore, #tpu.memory_space<semaphore_mem>>) src(%dma_wait3A_306 : memref<1000000x16xi32, #tpu.memory_space<hbm>>) dst(%dma_wait3A_300 : memref<20x16xi32, #tpu.memory_space<vmem>>)
        %dma_wait3A_307 = arith.constant 0 : i32
        %dma_wait3A_308 = arith.constant 0 : i32
        %dma_wait3A_309 = tpu.memref_slice %arg6[%add3A_111, %dma_wait3A_307, %dma_wait3A_308] : memref<128x20x16xi32, #tpu.memory_space<vmem>> -> memref<1x20x16xi32, #tpu.memory_space<vmem>>
        %dma_wait3A_310 = tpu.memref_squeeze %dma_wait3A_309 : memref<1x20x16xi32, #tpu.memory_space<vmem>> -> memref<20x16xi32, #tpu.memory_space<vmem>>
        %dma_wait3A_311 = arith.constant 0 : i32
        %dma_wait3A_312 = tpu.memref_slice %arg5[%add3A_111, %dma_wait3A_311] : memref<128x20xi32, #tpu.memory_space<vmem>> -> memref<1x20xi32, #tpu.memory_space<vmem>>
        %dma_wait3A_313 = tpu.memref_squeeze %dma_wait3A_312 : memref<1x20xi32, #tpu.memory_space<vmem>> -> memref<20xi32, #tpu.memory_space<vmem>>
        %dma_wait3A_314 = arith.constant 0 : i32
        %dma_wait3A_315 = arith.constant 0 : i32
        %dma_wait3A_316 = tpu.memref_slice %arg3[%dma_wait3A_314, %dma_wait3A_315] : memref<1000000x16xi32, #tpu.memory_space<hbm>> -> memref<1000000x16xi32, #tpu.memory_space<hbm>>
        tpu.wait_indirect_dma semaphore(%arg8 : memref<!tpu.dma_semaphore, #tpu.memory_space<semaphore_mem>>) src(%dma_wait3A_316 : memref<1000000x16xi32, #tpu.memory_space<hbm>>) dst(%dma_wait3A_310 : memref<20x16xi32, #tpu.memory_space<vmem>>)
        %dma_wait3A_317 = arith.constant 0 : i32
        %dma_wait3A_318 = arith.constant 0 : i32
        %dma_wait3A_319 = tpu.memref_slice %arg6[%add3A_125, %dma_wait3A_317, %dma_wait3A_318] : memref<128x20x16xi32, #tpu.memory_space<vmem>> -> memref<1x20x16xi32, #tpu.memory_space<vmem>>
        %dma_wait3A_320 = tpu.memref_squeeze %dma_wait3A_319 : memref<1x20x16xi32, #tpu.memory_space<vmem>> -> memref<20x16xi32, #tpu.memory_space<vmem>>
        %dma_wait3A_321 = arith.constant 0 : i32
        %dma_wait3A_322 = tpu.memref_slice %arg5[%add3A_125, %dma_wait3A_321] : memref<128x20xi32, #tpu.memory_space<vmem>> -> memref<1x20xi32, #tpu.memory_space<vmem>>
        %dma_wait3A_323 = tpu.memref_squeeze %dma_wait3A_322 : memref<1x20xi32, #tpu.memory_space<vmem>> -> memref<20xi32, #tpu.memory_space<vmem>>
        %dma_wait3A_324 = arith.constant 0 : i32
        %dma_wait3A_325 = arith.constant 0 : i32
        %dma_wait3A_326 = tpu.memref_slice %arg3[%dma_wait3A_324, %dma_wait3A_325] : memref<1000000x16xi32, #tpu.memory_space<hbm>> -> memref<1000000x16xi32, #tpu.memory_space<hbm>>
        tpu.wait_indirect_dma semaphore(%arg8 : memref<!tpu.dma_semaphore, #tpu.memory_space<semaphore_mem>>) src(%dma_wait3A_326 : memref<1000000x16xi32, #tpu.memory_space<hbm>>) dst(%dma_wait3A_320 : memref<20x16xi32, #tpu.memory_space<vmem>>)
        %dma_wait3A_327 = arith.constant 0 : i32
        %dma_wait3A_328 = arith.constant 0 : i32
        %dma_wait3A_329 = tpu.memref_slice %arg6[%add3A_139, %dma_wait3A_327, %dma_wait3A_328] : memref<128x20x16xi32, #tpu.memory_space<vmem>> -> memref<1x20x16xi32, #tpu.memory_space<vmem>>
        %dma_wait3A_330 = tpu.memref_squeeze %dma_wait3A_329 : memref<1x20x16xi32, #tpu.memory_space<vmem>> -> memref<20x16xi32, #tpu.memory_space<vmem>>
        %dma_wait3A_331 = arith.constant 0 : i32
        %dma_wait3A_332 = tpu.memref_slice %arg5[%add3A_139, %dma_wait3A_331] : memref<128x20xi32, #tpu.memory_space<vmem>> -> memref<1x20xi32, #tpu.memory_space<vmem>>
        %dma_wait3A_333 = tpu.memref_squeeze %dma_wait3A_332 : memref<1x20xi32, #tpu.memory_space<vmem>> -> memref<20xi32, #tpu.memory_space<vmem>>
        %dma_wait3A_334 = arith.constant 0 : i32
        %dma_wait3A_335 = arith.constant 0 : i32
        %dma_wait3A_336 = tpu.memref_slice %arg3[%dma_wait3A_334, %dma_wait3A_335] : memref<1000000x16xi32, #tpu.memory_space<hbm>> -> memref<1000000x16xi32, #tpu.memory_space<hbm>>
        tpu.wait_indirect_dma semaphore(%arg8 : memref<!tpu.dma_semaphore, #tpu.memory_space<semaphore_mem>>) src(%dma_wait3A_336 : memref<1000000x16xi32, #tpu.memory_space<hbm>>) dst(%dma_wait3A_330 : memref<20x16xi32, #tpu.memory_space<vmem>>)
        %dma_wait3A_337 = arith.constant 0 : i32
        %dma_wait3A_338 = arith.constant 0 : i32
        %dma_wait3A_339 = tpu.memref_slice %arg6[%add3A_153, %dma_wait3A_337, %dma_wait3A_338] : memref<128x20x16xi32, #tpu.memory_space<vmem>> -> memref<1x20x16xi32, #tpu.memory_space<vmem>>
        %dma_wait3A_340 = tpu.memref_squeeze %dma_wait3A_339 : memref<1x20x16xi32, #tpu.memory_space<vmem>> -> memref<20x16xi32, #tpu.memory_space<vmem>>
        %dma_wait3A_341 = arith.constant 0 : i32
        %dma_wait3A_342 = tpu.memref_slice %arg5[%add3A_153, %dma_wait3A_341] : memref<128x20xi32, #tpu.memory_space<vmem>> -> memref<1x20xi32, #tpu.memory_space<vmem>>
        %dma_wait3A_343 = tpu.memref_squeeze %dma_wait3A_342 : memref<1x20xi32, #tpu.memory_space<vmem>> -> memref<20xi32, #tpu.memory_space<vmem>>
        %dma_wait3A_344 = arith.constant 0 : i32
        %dma_wait3A_345 = arith.constant 0 : i32
        %dma_wait3A_346 = tpu.memref_slice %arg3[%dma_wait3A_344, %dma_wait3A_345] : memref<1000000x16xi32, #tpu.memory_space<hbm>> -> memref<1000000x16xi32, #tpu.memory_space<hbm>>
        tpu.wait_indirect_dma semaphore(%arg8 : memref<!tpu.dma_semaphore, #tpu.memory_space<semaphore_mem>>) src(%dma_wait3A_346 : memref<1000000x16xi32, #tpu.memory_space<hbm>>) dst(%dma_wait3A_340 : memref<20x16xi32, #tpu.memory_space<vmem>>)
        %dma_wait3A_347 = arith.constant 0 : i32
        %dma_wait3A_348 = arith.constant 0 : i32
        %dma_wait3A_349 = tpu.memref_slice %arg6[%add3A_167, %dma_wait3A_347, %dma_wait3A_348] : memref<128x20x16xi32, #tpu.memory_space<vmem>> -> memref<1x20x16xi32, #tpu.memory_space<vmem>>
        %dma_wait3A_350 = tpu.memref_squeeze %dma_wait3A_349 : memref<1x20x16xi32, #tpu.memory_space<vmem>> -> memref<20x16xi32, #tpu.memory_space<vmem>>
        %dma_wait3A_351 = arith.constant 0 : i32
        %dma_wait3A_352 = tpu.memref_slice %arg5[%add3A_167, %dma_wait3A_351] : memref<128x20xi32, #tpu.memory_space<vmem>> -> memref<1x20xi32, #tpu.memory_space<vmem>>
        %dma_wait3A_353 = tpu.memref_squeeze %dma_wait3A_352 : memref<1x20xi32, #tpu.memory_space<vmem>> -> memref<20xi32, #tpu.memory_space<vmem>>
        %dma_wait3A_354 = arith.constant 0 : i32
        %dma_wait3A_355 = arith.constant 0 : i32
        %dma_wait3A_356 = tpu.memref_slice %arg3[%dma_wait3A_354, %dma_wait3A_355] : memref<1000000x16xi32, #tpu.memory_space<hbm>> -> memref<1000000x16xi32, #tpu.memory_space<hbm>>
        tpu.wait_indirect_dma semaphore(%arg8 : memref<!tpu.dma_semaphore, #tpu.memory_space<semaphore_mem>>) src(%dma_wait3A_356 : memref<1000000x16xi32, #tpu.memory_space<hbm>>) dst(%dma_wait3A_350 : memref<20x16xi32, #tpu.memory_space<vmem>>)
        %dma_wait3A_357 = arith.constant 0 : i32
        %dma_wait3A_358 = arith.constant 0 : i32
        %dma_wait3A_359 = tpu.memref_slice %arg6[%add3A_181, %dma_wait3A_357, %dma_wait3A_358] : memref<128x20x16xi32, #tpu.memory_space<vmem>> -> memref<1x20x16xi32, #tpu.memory_space<vmem>>
        %dma_wait3A_360 = tpu.memref_squeeze %dma_wait3A_359 : memref<1x20x16xi32, #tpu.memory_space<vmem>> -> memref<20x16xi32, #tpu.memory_space<vmem>>
        %dma_wait3A_361 = arith.constant 0 : i32
        %dma_wait3A_362 = tpu.memref_slice %arg5[%add3A_181, %dma_wait3A_361] : memref<128x20xi32, #tpu.memory_space<vmem>> -> memref<1x20xi32, #tpu.memory_space<vmem>>
        %dma_wait3A_363 = tpu.memref_squeeze %dma_wait3A_362 : memref<1x20xi32, #tpu.memory_space<vmem>> -> memref<20xi32, #tpu.memory_space<vmem>>
        %dma_wait3A_364 = arith.constant 0 : i32
        %dma_wait3A_365 = arith.constant 0 : i32
        %dma_wait3A_366 = tpu.memref_slice %arg3[%dma_wait3A_364, %dma_wait3A_365] : memref<1000000x16xi32, #tpu.memory_space<hbm>> -> memref<1000000x16xi32, #tpu.memory_space<hbm>>
        tpu.wait_indirect_dma semaphore(%arg8 : memref<!tpu.dma_semaphore, #tpu.memory_space<semaphore_mem>>) src(%dma_wait3A_366 : memref<1000000x16xi32, #tpu.memory_space<hbm>>) dst(%dma_wait3A_360 : memref<20x16xi32, #tpu.memory_space<vmem>>)
        %dma_wait3A_367 = arith.constant 0 : i32
        %dma_wait3A_368 = arith.constant 0 : i32
        %dma_wait3A_369 = tpu.memref_slice %arg6[%add3A_195, %dma_wait3A_367, %dma_wait3A_368] : memref<128x20x16xi32, #tpu.memory_space<vmem>> -> memref<1x20x16xi32, #tpu.memory_space<vmem>>
        %dma_wait3A_370 = tpu.memref_squeeze %dma_wait3A_369 : memref<1x20x16xi32, #tpu.memory_space<vmem>> -> memref<20x16xi32, #tpu.memory_space<vmem>>
        %dma_wait3A_371 = arith.constant 0 : i32
        %dma_wait3A_372 = tpu.memref_slice %arg5[%add3A_195, %dma_wait3A_371] : memref<128x20xi32, #tpu.memory_space<vmem>> -> memref<1x20xi32, #tpu.memory_space<vmem>>
        %dma_wait3A_373 = tpu.memref_squeeze %dma_wait3A_372 : memref<1x20xi32, #tpu.memory_space<vmem>> -> memref<20xi32, #tpu.memory_space<vmem>>
        %dma_wait3A_374 = arith.constant 0 : i32
        %dma_wait3A_375 = arith.constant 0 : i32
        %dma_wait3A_376 = tpu.memref_slice %arg3[%dma_wait3A_374, %dma_wait3A_375] : memref<1000000x16xi32, #tpu.memory_space<hbm>> -> memref<1000000x16xi32, #tpu.memory_space<hbm>>
        tpu.wait_indirect_dma semaphore(%arg8 : memref<!tpu.dma_semaphore, #tpu.memory_space<semaphore_mem>>) src(%dma_wait3A_376 : memref<1000000x16xi32, #tpu.memory_space<hbm>>) dst(%dma_wait3A_370 : memref<20x16xi32, #tpu.memory_space<vmem>>)
        %dma_wait3A_377 = arith.constant 0 : i32
        %dma_wait3A_378 = arith.constant 0 : i32
        %dma_wait3A_379 = tpu.memref_slice %arg6[%add3A_209, %dma_wait3A_377, %dma_wait3A_378] : memref<128x20x16xi32, #tpu.memory_space<vmem>> -> memref<1x20x16xi32, #tpu.memory_space<vmem>>
        %dma_wait3A_380 = tpu.memref_squeeze %dma_wait3A_379 : memref<1x20x16xi32, #tpu.memory_space<vmem>> -> memref<20x16xi32, #tpu.memory_space<vmem>>
        %dma_wait3A_381 = arith.constant 0 : i32
        %dma_wait3A_382 = tpu.memref_slice %arg5[%add3A_209, %dma_wait3A_381] : memref<128x20xi32, #tpu.memory_space<vmem>> -> memref<1x20xi32, #tpu.memory_space<vmem>>
        %dma_wait3A_383 = tpu.memref_squeeze %dma_wait3A_382 : memref<1x20xi32, #tpu.memory_space<vmem>> -> memref<20xi32, #tpu.memory_space<vmem>>
        %dma_wait3A_384 = arith.constant 0 : i32
        %dma_wait3A_385 = arith.constant 0 : i32
        %dma_wait3A_386 = tpu.memref_slice %arg3[%dma_wait3A_384, %dma_wait3A_385] : memref<1000000x16xi32, #tpu.memory_space<hbm>> -> memref<1000000x16xi32, #tpu.memory_space<hbm>>
        tpu.wait_indirect_dma semaphore(%arg8 : memref<!tpu.dma_semaphore, #tpu.memory_space<semaphore_mem>>) src(%dma_wait3A_386 : memref<1000000x16xi32, #tpu.memory_space<hbm>>) dst(%dma_wait3A_380 : memref<20x16xi32, #tpu.memory_space<vmem>>)
        %dma_wait3A_387 = arith.constant 0 : i32
        %dma_wait3A_388 = arith.constant 0 : i32
        %dma_wait3A_389 = tpu.memref_slice %arg6[%add3A_223, %dma_wait3A_387, %dma_wait3A_388] : memref<128x20x16xi32, #tpu.memory_space<vmem>> -> memref<1x20x16xi32, #tpu.memory_space<vmem>>
        %dma_wait3A_390 = tpu.memref_squeeze %dma_wait3A_389 : memref<1x20x16xi32, #tpu.memory_space<vmem>> -> memref<20x16xi32, #tpu.memory_space<vmem>>
        %dma_wait3A_391 = arith.constant 0 : i32
        %dma_wait3A_392 = tpu.memref_slice %arg5[%add3A_223, %dma_wait3A_391] : memref<128x20xi32, #tpu.memory_space<vmem>> -> memref<1x20xi32, #tpu.memory_space<vmem>>
        %dma_wait3A_393 = tpu.memref_squeeze %dma_wait3A_392 : memref<1x20xi32, #tpu.memory_space<vmem>> -> memref<20xi32, #tpu.memory_space<vmem>>
        %dma_wait3A_394 = arith.constant 0 : i32
        %dma_wait3A_395 = arith.constant 0 : i32
        %dma_wait3A_396 = tpu.memref_slice %arg3[%dma_wait3A_394, %dma_wait3A_395] : memref<1000000x16xi32, #tpu.memory_space<hbm>> -> memref<1000000x16xi32, #tpu.memory_space<hbm>>
        tpu.wait_indirect_dma semaphore(%arg8 : memref<!tpu.dma_semaphore, #tpu.memory_space<semaphore_mem>>) src(%dma_wait3A_396 : memref<1000000x16xi32, #tpu.memory_space<hbm>>) dst(%dma_wait3A_390 : memref<20x16xi32, #tpu.memory_space<vmem>>)
        %dma_wait3A_397 = arith.constant 0 : i32
        %dma_wait3A_398 = arith.constant 0 : i32
        %dma_wait3A_399 = tpu.memref_slice %arg6[%add3A_237, %dma_wait3A_397, %dma_wait3A_398] : memref<128x20x16xi32, #tpu.memory_space<vmem>> -> memref<1x20x16xi32, #tpu.memory_space<vmem>>
        %dma_wait3A_400 = tpu.memref_squeeze %dma_wait3A_399 : memref<1x20x16xi32, #tpu.memory_space<vmem>> -> memref<20x16xi32, #tpu.memory_space<vmem>>
        %dma_wait3A_401 = arith.constant 0 : i32
        %dma_wait3A_402 = tpu.memref_slice %arg5[%add3A_237, %dma_wait3A_401] : memref<128x20xi32, #tpu.memory_space<vmem>> -> memref<1x20xi32, #tpu.memory_space<vmem>>
        %dma_wait3A_403 = tpu.memref_squeeze %dma_wait3A_402 : memref<1x20xi32, #tpu.memory_space<vmem>> -> memref<20xi32, #tpu.memory_space<vmem>>
        %dma_wait3A_404 = arith.constant 0 : i32
        %dma_wait3A_405 = arith.constant 0 : i32
        %dma_wait3A_406 = tpu.memref_slice %arg3[%dma_wait3A_404, %dma_wait3A_405] : memref<1000000x16xi32, #tpu.memory_space<hbm>> -> memref<1000000x16xi32, #tpu.memory_space<hbm>>
        tpu.wait_indirect_dma semaphore(%arg8 : memref<!tpu.dma_semaphore, #tpu.memory_space<semaphore_mem>>) src(%dma_wait3A_406 : memref<1000000x16xi32, #tpu.memory_space<hbm>>) dst(%dma_wait3A_400 : memref<20x16xi32, #tpu.memory_space<vmem>>)
      }
      %scan3A_17 = arith.constant 8 : i32
      %scan3A_18 = arith.constant 0 : i32
      %scan3A_19 = arith.constant 0 : i32
      %scan3A_20 = arith.constant 640 : i32
      %scan3A_21 = arith.addi %scan3A_19, %scan3A_20 : i32
      %scan3A_22 = arith.constant 1 : i32
      scf.for %scan3A_24 = %scan3A_19 to %scan3A_21 step %scan3A_22  : i32 {
        %mul3A_25 = arith.constant 4 : i32
        %mul3A_26 = arith.muli %scan3A_24, %mul3A_25 : i32
        %add3A_27 = arith.constant 0 : i32
        %add3A_28 = arith.addi %mul3A_26, %add3A_27 : i32
        %jit3A = arith.constant 20 : i32
        %div3A = arith.divsi %add3A_28, %jit3A : i32
        %sign3A = arith.constant 0 : i32
        %sign3A_29 = arith.cmpi sgt, %add3A_28, %sign3A : i32
        %sign3A_30 = arith.extui %sign3A_29 : i1 to i32
        %sign3A_31 = arith.constant 0 : i32
        %sign3A_32 = arith.cmpi slt, %add3A_28, %sign3A_31 : i32
        %sign3A_33 = arith.extui %sign3A_32 : i1 to i32
        %sign3A_34 = arith.subi %sign3A_30, %sign3A_33 : i32
        %sign3A_35 = arith.constant 0 : i32
        %sign3A_36 = arith.cmpi sgt, %jit3A, %sign3A_35 : i32
        %sign3A_37 = arith.extui %sign3A_36 : i1 to i32
        %sign3A_38 = arith.constant 0 : i32
        %sign3A_39 = arith.cmpi slt, %jit3A, %sign3A_38 : i32
        %sign3A_40 = arith.extui %sign3A_39 : i1 to i32
        %sign3A_41 = arith.subi %sign3A_37, %sign3A_40 : i32
        %ne3A = arith.cmpi ne, %sign3A_34, %sign3A_41 : i32
        %rem3A = arith.remsi %add3A_28, %jit3A : i32
        %ne3A_42 = arith.constant 0 : i32
        %ne3A_43 = arith.cmpi ne, %rem3A, %ne3A_42 : i32
        %and3A = arith.andi %ne3A, %ne3A_43 : i1
        %sub3A = arith.constant 1 : i32
        %sub3A_44 = arith.subi %div3A, %sub3A : i32
        %select_n3A = arith.select %and3A, %sub3A_44, %div3A : i32
        %jit3A_45 = arith.constant 20 : i32
        %eq3A = arith.constant 0 : i32
        %eq3A_46 = arith.cmpi eq, %jit3A_45, %eq3A : i32
        %jit3A_47 = arith.constant 1 : i32
        %select_n3A_48 = arith.select %eq3A_46, %jit3A_47, %jit3A_45 : i32
        %rem3A_49 = arith.remsi %add3A_28, %select_n3A_48 : i32
        %ne3A_50 = arith.constant 0 : i32
        %ne3A_51 = arith.cmpi ne, %rem3A_49, %ne3A_50 : i32
        %lt3A = arith.constant 0 : i32
        %lt3A_52 = arith.cmpi slt, %rem3A_49, %lt3A : i32
        %lt3A_53 = arith.constant 0 : i32
        %lt3A_54 = arith.cmpi slt, %select_n3A_48, %lt3A_53 : i32
        %ne3A_55 = arith.xori %lt3A_52, %lt3A_54 : i1
        %and3A_56 = arith.andi %ne3A_55, %ne3A_51 : i1
        %add3A_57 = arith.addi %rem3A_49, %select_n3A_48 : i32
        %select_n3A_58 = arith.select %and3A_56, %add3A_57, %rem3A_49 : i32
        %get3A = arith.index_cast %select_n3A : i32 to index
        %get3A_59 = arith.index_cast %select_n3A_58 : i32 to index
        %get3A_60 = arith.constant 0 : index
        %get3A_61 = tpu.vector_load %arg6[%get3A, %get3A_59, %get3A_60] {strides = array<i32>} : memref<128x20x16xi32, #tpu.memory_space<vmem>>, vector<16xi32>,
        %bitcast3A = vector.bitcast %get3A_61 : vector<16xi32> to vector<32xi16>
        %swap3A = arith.index_cast %select_n3A : i32 to index
        %swap3A_62 = arith.index_cast %select_n3A_58 : i32 to index
        %swap3A_63 = arith.constant 0 : index
        %swap3A_64 = tpu.vector_load %arg7[%swap3A, %swap3A_62, %swap3A_63] {strides = array<i32>} : memref<128x20x32xi16, #tpu.memory_space<vmem>>, vector<32xi16>,
        tpu.vector_store %arg7[%swap3A, %swap3A_62, %swap3A_63], %bitcast3A {strides = array<i32>} : memref<128x20x32xi16, #tpu.memory_space<vmem>>, vector<32xi16>,
        %mul3A_65 = arith.constant 4 : i32
        %mul3A_66 = arith.muli %scan3A_24, %mul3A_65 : i32
        %add3A_67 = arith.constant 1 : i32
        %add3A_68 = arith.addi %mul3A_66, %add3A_67 : i32
        %jit3A_69 = arith.constant 20 : i32
        %div3A_70 = arith.divsi %add3A_68, %jit3A_69 : i32
        %sign3A_71 = arith.constant 0 : i32
        %sign3A_72 = arith.cmpi sgt, %add3A_68, %sign3A_71 : i32
        %sign3A_73 = arith.extui %sign3A_72 : i1 to i32
        %sign3A_74 = arith.constant 0 : i32
        %sign3A_75 = arith.cmpi slt, %add3A_68, %sign3A_74 : i32
        %sign3A_76 = arith.extui %sign3A_75 : i1 to i32
        %sign3A_77 = arith.subi %sign3A_73, %sign3A_76 : i32
        %sign3A_78 = arith.constant 0 : i32
        %sign3A_79 = arith.cmpi sgt, %jit3A_69, %sign3A_78 : i32
        %sign3A_80 = arith.extui %sign3A_79 : i1 to i32
        %sign3A_81 = arith.constant 0 : i32
        %sign3A_82 = arith.cmpi slt, %jit3A_69, %sign3A_81 : i32
        %sign3A_83 = arith.extui %sign3A_82 : i1 to i32
        %sign3A_84 = arith.subi %sign3A_80, %sign3A_83 : i32
        %ne3A_85 = arith.cmpi ne, %sign3A_77, %sign3A_84 : i32
        %rem3A_86 = arith.remsi %add3A_68, %jit3A_69 : i32
        %ne3A_87 = arith.constant 0 : i32
        %ne3A_88 = arith.cmpi ne, %rem3A_86, %ne3A_87 : i32
        %and3A_89 = arith.andi %ne3A_85, %ne3A_88 : i1
        %sub3A_90 = arith.constant 1 : i32
        %sub3A_91 = arith.subi %div3A_70, %sub3A_90 : i32
        %select_n3A_92 = arith.select %and3A_89, %sub3A_91, %div3A_70 : i32
        %jit3A_93 = arith.constant 20 : i32
        %eq3A_94 = arith.constant 0 : i32
        %eq3A_95 = arith.cmpi eq, %jit3A_93, %eq3A_94 : i32
        %jit3A_96 = arith.constant 1 : i32
        %select_n3A_97 = arith.select %eq3A_95, %jit3A_96, %jit3A_93 : i32
        %rem3A_98 = arith.remsi %add3A_68, %select_n3A_97 : i32
        %ne3A_99 = arith.constant 0 : i32
        %ne3A_100 = arith.cmpi ne, %rem3A_98, %ne3A_99 : i32
        %lt3A_101 = arith.constant 0 : i32
        %lt3A_102 = arith.cmpi slt, %rem3A_98, %lt3A_101 : i32
        %lt3A_103 = arith.constant 0 : i32
        %lt3A_104 = arith.cmpi slt, %select_n3A_97, %lt3A_103 : i32
        %ne3A_105 = arith.xori %lt3A_102, %lt3A_104 : i1
        %and3A_106 = arith.andi %ne3A_105, %ne3A_100 : i1
        %add3A_107 = arith.addi %rem3A_98, %select_n3A_97 : i32
        %select_n3A_108 = arith.select %and3A_106, %add3A_107, %rem3A_98 : i32
        %get3A_109 = arith.index_cast %select_n3A_92 : i32 to index
        %get3A_110 = arith.index_cast %select_n3A_108 : i32 to index
        %get3A_111 = arith.constant 0 : index
        %get3A_112 = tpu.vector_load %arg6[%get3A_109, %get3A_110, %get3A_111] {strides = array<i32>} : memref<128x20x16xi32, #tpu.memory_space<vmem>>, vector<16xi32>,
        %bitcast3A_113 = vector.bitcast %get3A_112 : vector<16xi32> to vector<32xi16>
        %swap3A_114 = arith.index_cast %select_n3A_92 : i32 to index
        %swap3A_115 = arith.index_cast %select_n3A_108 : i32 to index
        %swap3A_116 = arith.constant 0 : index
        %swap3A_117 = tpu.vector_load %arg7[%swap3A_114, %swap3A_115, %swap3A_116] {strides = array<i32>} : memref<128x20x32xi16, #tpu.memory_space<vmem>>, vector<32xi16>,
        tpu.vector_store %arg7[%swap3A_114, %swap3A_115, %swap3A_116], %bitcast3A_113 {strides = array<i32>} : memref<128x20x32xi16, #tpu.memory_space<vmem>>, vector<32xi16>,
        %mul3A_118 = arith.constant 4 : i32
        %mul3A_119 = arith.muli %scan3A_24, %mul3A_118 : i32
        %add3A_120 = arith.constant 2 : i32
        %add3A_121 = arith.addi %mul3A_119, %add3A_120 : i32
        %jit3A_122 = arith.constant 20 : i32
        %div3A_123 = arith.divsi %add3A_121, %jit3A_122 : i32
        %sign3A_124 = arith.constant 0 : i32
        %sign3A_125 = arith.cmpi sgt, %add3A_121, %sign3A_124 : i32
        %sign3A_126 = arith.extui %sign3A_125 : i1 to i32
        %sign3A_127 = arith.constant 0 : i32
        %sign3A_128 = arith.cmpi slt, %add3A_121, %sign3A_127 : i32
        %sign3A_129 = arith.extui %sign3A_128 : i1 to i32
        %sign3A_130 = arith.subi %sign3A_126, %sign3A_129 : i32
        %sign3A_131 = arith.constant 0 : i32
        %sign3A_132 = arith.cmpi sgt, %jit3A_122, %sign3A_131 : i32
        %sign3A_133 = arith.extui %sign3A_132 : i1 to i32
        %sign3A_134 = arith.constant 0 : i32
        %sign3A_135 = arith.cmpi slt, %jit3A_122, %sign3A_134 : i32
        %sign3A_136 = arith.extui %sign3A_135 : i1 to i32
        %sign3A_137 = arith.subi %sign3A_133, %sign3A_136 : i32
        %ne3A_138 = arith.cmpi ne, %sign3A_130, %sign3A_137 : i32
        %rem3A_139 = arith.remsi %add3A_121, %jit3A_122 : i32
        %ne3A_140 = arith.constant 0 : i32
        %ne3A_141 = arith.cmpi ne, %rem3A_139, %ne3A_140 : i32
        %and3A_142 = arith.andi %ne3A_138, %ne3A_141 : i1
        %sub3A_143 = arith.constant 1 : i32
        %sub3A_144 = arith.subi %div3A_123, %sub3A_143 : i32
        %select_n3A_145 = arith.select %and3A_142, %sub3A_144, %div3A_123 : i32
        %jit3A_146 = arith.constant 20 : i32
        %eq3A_147 = arith.constant 0 : i32
        %eq3A_148 = arith.cmpi eq, %jit3A_146, %eq3A_147 : i32
        %jit3A_149 = arith.constant 1 : i32
        %select_n3A_150 = arith.select %eq3A_148, %jit3A_149, %jit3A_146 : i32
        %rem3A_151 = arith.remsi %add3A_121, %select_n3A_150 : i32
        %ne3A_152 = arith.constant 0 : i32
        %ne3A_153 = arith.cmpi ne, %rem3A_151, %ne3A_152 : i32
        %lt3A_154 = arith.constant 0 : i32
        %lt3A_155 = arith.cmpi slt, %rem3A_151, %lt3A_154 : i32
        %lt3A_156 = arith.constant 0 : i32
        %lt3A_157 = arith.cmpi slt, %select_n3A_150, %lt3A_156 : i32
        %ne3A_158 = arith.xori %lt3A_155, %lt3A_157 : i1
        %and3A_159 = arith.andi %ne3A_158, %ne3A_153 : i1
        %add3A_160 = arith.addi %rem3A_151, %select_n3A_150 : i32
        %select_n3A_161 = arith.select %and3A_159, %add3A_160, %rem3A_151 : i32
        %get3A_162 = arith.index_cast %select_n3A_145 : i32 to index
        %get3A_163 = arith.index_cast %select_n3A_161 : i32 to index
        %get3A_164 = arith.constant 0 : index
        %get3A_165 = tpu.vector_load %arg6[%get3A_162, %get3A_163, %get3A_164] {strides = array<i32>} : memref<128x20x16xi32, #tpu.memory_space<vmem>>, vector<16xi32>,
        %bitcast3A_166 = vector.bitcast %get3A_165 : vector<16xi32> to vector<32xi16>
        %swap3A_167 = arith.index_cast %select_n3A_145 : i32 to index
        %swap3A_168 = arith.index_cast %select_n3A_161 : i32 to index
        %swap3A_169 = arith.constant 0 : index
        %swap3A_170 = tpu.vector_load %arg7[%swap3A_167, %swap3A_168, %swap3A_169] {strides = array<i32>} : memref<128x20x32xi16, #tpu.memory_space<vmem>>, vector<32xi16>,
        tpu.vector_store %arg7[%swap3A_167, %swap3A_168, %swap3A_169], %bitcast3A_166 {strides = array<i32>} : memref<128x20x32xi16, #tpu.memory_space<vmem>>, vector<32xi16>,
        %mul3A_171 = arith.constant 4 : i32
        %mul3A_172 = arith.muli %scan3A_24, %mul3A_171 : i32
        %add3A_173 = arith.constant 3 : i32
        %add3A_174 = arith.addi %mul3A_172, %add3A_173 : i32
        %jit3A_175 = arith.constant 20 : i32
        %div3A_176 = arith.divsi %add3A_174, %jit3A_175 : i32
        %sign3A_177 = arith.constant 0 : i32
        %sign3A_178 = arith.cmpi sgt, %add3A_174, %sign3A_177 : i32
        %sign3A_179 = arith.extui %sign3A_178 : i1 to i32
        %sign3A_180 = arith.constant 0 : i32
        %sign3A_181 = arith.cmpi slt, %add3A_174, %sign3A_180 : i32
        %sign3A_182 = arith.extui %sign3A_181 : i1 to i32
        %sign3A_183 = arith.subi %sign3A_179, %sign3A_182 : i32
        %sign3A_184 = arith.constant 0 : i32
        %sign3A_185 = arith.cmpi sgt, %jit3A_175, %sign3A_184 : i32
        %sign3A_186 = arith.extui %sign3A_185 : i1 to i32
        %sign3A_187 = arith.constant 0 : i32
        %sign3A_188 = arith.cmpi slt, %jit3A_175, %sign3A_187 : i32
        %sign3A_189 = arith.extui %sign3A_188 : i1 to i32
        %sign3A_190 = arith.subi %sign3A_186, %sign3A_189 : i32
        %ne3A_191 = arith.cmpi ne, %sign3A_183, %sign3A_190 : i32
        %rem3A_192 = arith.remsi %add3A_174, %jit3A_175 : i32
        %ne3A_193 = arith.constant 0 : i32
        %ne3A_194 = arith.cmpi ne, %rem3A_192, %ne3A_193 : i32
        %and3A_195 = arith.andi %ne3A_191, %ne3A_194 : i1
        %sub3A_196 = arith.constant 1 : i32
        %sub3A_197 = arith.subi %div3A_176, %sub3A_196 : i32
        %select_n3A_198 = arith.select %and3A_195, %sub3A_197, %div3A_176 : i32
        %jit3A_199 = arith.constant 20 : i32
        %eq3A_200 = arith.constant 0 : i32
        %eq3A_201 = arith.cmpi eq, %jit3A_199, %eq3A_200 : i32
        %jit3A_202 = arith.constant 1 : i32
        %select_n3A_203 = arith.select %eq3A_201, %jit3A_202, %jit3A_199 : i32
        %rem3A_204 = arith.remsi %add3A_174, %select_n3A_203 : i32
        %ne3A_205 = arith.constant 0 : i32
        %ne3A_206 = arith.cmpi ne, %rem3A_204, %ne3A_205 : i32
        %lt3A_207 = arith.constant 0 : i32
        %lt3A_208 = arith.cmpi slt, %rem3A_204, %lt3A_207 : i32
        %lt3A_209 = arith.constant 0 : i32
        %lt3A_210 = arith.cmpi slt, %select_n3A_203, %lt3A_209 : i32
        %ne3A_211 = arith.xori %lt3A_208, %lt3A_210 : i1
        %and3A_212 = arith.andi %ne3A_211, %ne3A_206 : i1
        %add3A_213 = arith.addi %rem3A_204, %select_n3A_203 : i32
        %select_n3A_214 = arith.select %and3A_212, %add3A_213, %rem3A_204 : i32
        %get3A_215 = arith.index_cast %select_n3A_198 : i32 to index
        %get3A_216 = arith.index_cast %select_n3A_214 : i32 to index
        %get3A_217 = arith.constant 0 : index
        %get3A_218 = tpu.vector_load %arg6[%get3A_215, %get3A_216, %get3A_217] {strides = array<i32>} : memref<128x20x16xi32, #tpu.memory_space<vmem>>, vector<16xi32>,
        %bitcast3A_219 = vector.bitcast %get3A_218 : vector<16xi32> to vector<32xi16>
        %swap3A_220 = arith.index_cast %select_n3A_198 : i32 to index
        %swap3A_221 = arith.index_cast %select_n3A_214 : i32 to index
        %swap3A_222 = arith.constant 0 : index
        %swap3A_223 = tpu.vector_load %arg7[%swap3A_220, %swap3A_221, %swap3A_222] {strides = array<i32>} : memref<128x20x32xi16, #tpu.memory_space<vmem>>, vector<32xi16>,
        tpu.vector_store %arg7[%swap3A_220, %swap3A_221, %swap3A_222], %bitcast3A_219 {strides = array<i32>} : memref<128x20x32xi16, #tpu.memory_space<vmem>>, vector<32xi16>,
      }
      %scan3A_23 = arith.constant 640 : i32
      "tpu.region"() ({
        %run_scoped3A = tpu.sem_alloc : memref<!tpu.dma_semaphore, #tpu.memory_space<semaphore_mem>>
        %dma_start3A = arith.constant 0 : i32
        %dma_start3A_24 = arith.constant 0 : i32
        %dma_start3A_25 = tpu.memref_slice %arg4[%add3A_11, %dma_start3A, %dma_start3A_24] : memref<16384x20x32xi16, #tpu.memory_space<hbm>> -> memref<128x20x32xi16, #tpu.memory_space<hbm>>
        %dma_start3A_26 = arith.constant 0 : i32
        %dma_start3A_27 = arith.constant 0 : i32
        %dma_start3A_28 = tpu.memref_slice %arg4[%add3A_11, %dma_start3A_26, %dma_start3A_27] : memref<16384x20x32xi16, #tpu.memory_space<hbm>> -> memref<128x20x32xi16, #tpu.memory_space<hbm>>
        tpu.enqueue_dma source(%arg7 : memref<128x20x32xi16, #tpu.memory_space<vmem>>) target(%dma_start3A_28 : memref<128x20x32xi16, #tpu.memory_space<hbm>>) target_semaphore(%run_scoped3A : memref<!tpu.dma_semaphore, #tpu.memory_space<semaphore_mem>>)
        %dma_wait3A = arith.constant 0 : i32
        %dma_wait3A_29 = arith.constant 0 : i32
        %dma_wait3A_30 = tpu.memref_slice %arg4[%add3A_11, %dma_wait3A, %dma_wait3A_29] : memref<16384x20x32xi16, #tpu.memory_space<hbm>> -> memref<128x20x32xi16, #tpu.memory_space<hbm>>
        %dma_wait3A_31 = arith.constant 0 : i32
        %dma_wait3A_32 = arith.constant 0 : i32
        %dma_wait3A_33 = tpu.memref_slice %arg4[%add3A_11, %dma_wait3A_31, %dma_wait3A_32] : memref<16384x20x32xi16, #tpu.memory_space<hbm>> -> memref<128x20x32xi16, #tpu.memory_space<hbm>>
        tpu.wait_dma2 semaphore(%run_scoped3A : memref<!tpu.dma_semaphore, #tpu.memory_space<semaphore_mem>>) src(%arg7 : memref<128x20x32xi16, #tpu.memory_space<vmem>>) dst(%dma_wait3A_33 : memref<128x20x32xi16, #tpu.memory_space<hbm>>)
        tpu.yield
      }) : () -> ()
    }
    %scan3A_5 = arith.constant 4 : i32
    return
  }
}

#map = affine_map<(d0, d1) -> (0, 0)>
module attributes {stable_mosaic.version = 14 : i64} {
  func.func @_pack_body(%arg0: i32, %arg1: i32, %arg2: memref<1000000x32xbf16, #tpu.memory_space<hbm>>, %arg3: memref<1000000x16xi32, #tpu.memory_space<hbm>>, %arg4: memref<3125x32xbf16, #tpu.memory_space<vmem>>, %arg5: memref<3125x16xi32, #tpu.memory_space<vmem>>, %arg6: memref<!tpu.dma_semaphore, #tpu.memory_space<semaphore_mem>>) attributes {dimension_semantics = [#tpu.dimension_semantics<core_parallel>, #tpu.dimension_semantics<subcore_parallel>], iteration_bounds = array<i64: 2, 16>, scalar_prefetch = 0 : i64, scratch_operands = 3 : i64, tpu.core_type = #tpu.core_type<sc_vector_subcore>, window_params = [{transform_indices = #map}, {transform_indices = #map}]} {
    %mul3A = arith.constant 2 : i32
    %mul3A_0 = arith.muli %arg1, %mul3A : i32
    %add3A = arith.addi %mul3A_0, %arg0 : i32
    %scan3A = arith.constant 0 : i32
    %scan3A_1 = arith.constant 0 : i32
    %scan3A_2 = arith.constant 10 : i32
    %scan3A_3 = arith.addi %scan3A_1, %scan3A_2 : i32
    %scan3A_4 = arith.constant 1 : i32
    scf.for %scan3A_6 = %scan3A_1 to %scan3A_3 step %scan3A_4  : i32 {
      %mul3A_7 = arith.constant 31250 : i32
      %mul3A_8 = arith.muli %add3A, %mul3A_7 : i32
      %mul3A_9 = arith.constant 3125 : i32
      %mul3A_10 = arith.muli %scan3A_6, %mul3A_9 : i32
      %add3A_11 = arith.addi %mul3A_8, %mul3A_10 : i32
      "tpu.region"() ({
        %run_scoped3A = tpu.sem_alloc : memref<!tpu.dma_semaphore, #tpu.memory_space<semaphore_mem>>
        %dma_start3A = arith.constant 0 : i32
        %dma_start3A_18 = tpu.memref_slice %arg2[%add3A_11, %dma_start3A] : memref<1000000x32xbf16, #tpu.memory_space<hbm>> -> memref<3125x32xbf16, #tpu.memory_space<hbm>>
        %dma_start3A_19 = arith.constant 0 : i32
        %dma_start3A_20 = tpu.memref_slice %arg2[%add3A_11, %dma_start3A_19] : memref<1000000x32xbf16, #tpu.memory_space<hbm>> -> memref<3125x32xbf16, #tpu.memory_space<hbm>>
        tpu.enqueue_dma source(%dma_start3A_20 : memref<3125x32xbf16, #tpu.memory_space<hbm>>) target(%arg4 : memref<3125x32xbf16, #tpu.memory_space<vmem>>) target_semaphore(%run_scoped3A : memref<!tpu.dma_semaphore, #tpu.memory_space<semaphore_mem>>)
        %dma_wait3A = arith.constant 0 : i32
        %dma_wait3A_21 = tpu.memref_slice %arg2[%add3A_11, %dma_wait3A] : memref<1000000x32xbf16, #tpu.memory_space<hbm>> -> memref<3125x32xbf16, #tpu.memory_space<hbm>>
        %dma_wait3A_22 = arith.constant 0 : i32
        %dma_wait3A_23 = tpu.memref_slice %arg2[%add3A_11, %dma_wait3A_22] : memref<1000000x32xbf16, #tpu.memory_space<hbm>> -> memref<3125x32xbf16, #tpu.memory_space<hbm>>
        tpu.wait_dma2 semaphore(%run_scoped3A : memref<!tpu.dma_semaphore, #tpu.memory_space<semaphore_mem>>) src(%dma_wait3A_23 : memref<3125x32xbf16, #tpu.memory_space<hbm>>) dst(%arg4 : memref<3125x32xbf16, #tpu.memory_space<vmem>>)
        tpu.yield
      }) : () -> ()
      %scan3A_12 = arith.constant 0 : i32
      %scan3A_13 = arith.constant 0 : i32
      %scan3A_14 = arith.constant 625 : i32
      %scan3A_15 = arith.addi %scan3A_13, %scan3A_14 : i32
      %scan3A_16 = arith.constant 1 : i32
      scf.for %scan3A_18 = %scan3A_13 to %scan3A_15 step %scan3A_16  : i32 {
        %mul3A_19 = arith.constant 5 : i32
        %mul3A_20 = arith.muli %scan3A_18, %mul3A_19 : i32
        %add3A_21 = arith.constant 0 : i32
        %add3A_22 = arith.addi %mul3A_20, %add3A_21 : i32
        %get3A = arith.index_cast %add3A_22 : i32 to index
        %get3A_23 = arith.constant 0 : index
        %get3A_24 = tpu.vector_load %arg4[%get3A, %get3A_23] {strides = array<i32>} : memref<3125x32xbf16, #tpu.memory_space<vmem>>, vector<32xbf16>,
        %bitcast3A = vector.bitcast %get3A_24 : vector<32xbf16> to vector<16xi32>
        %swap3A = arith.index_cast %add3A_22 : i32 to index
        %swap3A_25 = arith.constant 0 : index
        %swap3A_26 = tpu.vector_load %arg5[%swap3A, %swap3A_25] {strides = array<i32>} : memref<3125x16xi32, #tpu.memory_space<vmem>>, vector<16xi32>,
        tpu.vector_store %arg5[%swap3A, %swap3A_25], %bitcast3A {strides = array<i32>} : memref<3125x16xi32, #tpu.memory_space<vmem>>, vector<16xi32>,
        %mul3A_27 = arith.constant 5 : i32
        %mul3A_28 = arith.muli %scan3A_18, %mul3A_27 : i32
        %add3A_29 = arith.constant 1 : i32
        %add3A_30 = arith.addi %mul3A_28, %add3A_29 : i32
        %get3A_31 = arith.index_cast %add3A_30 : i32 to index
        %get3A_32 = arith.constant 0 : index
        %get3A_33 = tpu.vector_load %arg4[%get3A_31, %get3A_32] {strides = array<i32>} : memref<3125x32xbf16, #tpu.memory_space<vmem>>, vector<32xbf16>,
        %bitcast3A_34 = vector.bitcast %get3A_33 : vector<32xbf16> to vector<16xi32>
        %swap3A_35 = arith.index_cast %add3A_30 : i32 to index
        %swap3A_36 = arith.constant 0 : index
        %swap3A_37 = tpu.vector_load %arg5[%swap3A_35, %swap3A_36] {strides = array<i32>} : memref<3125x16xi32, #tpu.memory_space<vmem>>, vector<16xi32>,
        tpu.vector_store %arg5[%swap3A_35, %swap3A_36], %bitcast3A_34 {strides = array<i32>} : memref<3125x16xi32, #tpu.memory_space<vmem>>, vector<16xi32>,
        %mul3A_38 = arith.constant 5 : i32
        %mul3A_39 = arith.muli %scan3A_18, %mul3A_38 : i32
        %add3A_40 = arith.constant 2 : i32
        %add3A_41 = arith.addi %mul3A_39, %add3A_40 : i32
        %get3A_42 = arith.index_cast %add3A_41 : i32 to index
        %get3A_43 = arith.constant 0 : index
        %get3A_44 = tpu.vector_load %arg4[%get3A_42, %get3A_43] {strides = array<i32>} : memref<3125x32xbf16, #tpu.memory_space<vmem>>, vector<32xbf16>,
        %bitcast3A_45 = vector.bitcast %get3A_44 : vector<32xbf16> to vector<16xi32>
        %swap3A_46 = arith.index_cast %add3A_41 : i32 to index
        %swap3A_47 = arith.constant 0 : index
        %swap3A_48 = tpu.vector_load %arg5[%swap3A_46, %swap3A_47] {strides = array<i32>} : memref<3125x16xi32, #tpu.memory_space<vmem>>, vector<16xi32>,
        tpu.vector_store %arg5[%swap3A_46, %swap3A_47], %bitcast3A_45 {strides = array<i32>} : memref<3125x16xi32, #tpu.memory_space<vmem>>, vector<16xi32>,
        %mul3A_49 = arith.constant 5 : i32
        %mul3A_50 = arith.muli %scan3A_18, %mul3A_49 : i32
        %add3A_51 = arith.constant 3 : i32
        %add3A_52 = arith.addi %mul3A_50, %add3A_51 : i32
        %get3A_53 = arith.index_cast %add3A_52 : i32 to index
        %get3A_54 = arith.constant 0 : index
        %get3A_55 = tpu.vector_load %arg4[%get3A_53, %get3A_54] {strides = array<i32>} : memref<3125x32xbf16, #tpu.memory_space<vmem>>, vector<32xbf16>,
        %bitcast3A_56 = vector.bitcast %get3A_55 : vector<32xbf16> to vector<16xi32>
        %swap3A_57 = arith.index_cast %add3A_52 : i32 to index
        %swap3A_58 = arith.constant 0 : index
        %swap3A_59 = tpu.vector_load %arg5[%swap3A_57, %swap3A_58] {strides = array<i32>} : memref<3125x16xi32, #tpu.memory_space<vmem>>, vector<16xi32>,
        tpu.vector_store %arg5[%swap3A_57, %swap3A_58], %bitcast3A_56 {strides = array<i32>} : memref<3125x16xi32, #tpu.memory_space<vmem>>, vector<16xi32>,
        %mul3A_60 = arith.constant 5 : i32
        %mul3A_61 = arith.muli %scan3A_18, %mul3A_60 : i32
        %add3A_62 = arith.constant 4 : i32
        %add3A_63 = arith.addi %mul3A_61, %add3A_62 : i32
        %get3A_64 = arith.index_cast %add3A_63 : i32 to index
        %get3A_65 = arith.constant 0 : index
        %get3A_66 = tpu.vector_load %arg4[%get3A_64, %get3A_65] {strides = array<i32>} : memref<3125x32xbf16, #tpu.memory_space<vmem>>, vector<32xbf16>,
        %bitcast3A_67 = vector.bitcast %get3A_66 : vector<32xbf16> to vector<16xi32>
        %swap3A_68 = arith.index_cast %add3A_63 : i32 to index
        %swap3A_69 = arith.constant 0 : index
        %swap3A_70 = tpu.vector_load %arg5[%swap3A_68, %swap3A_69] {strides = array<i32>} : memref<3125x16xi32, #tpu.memory_space<vmem>>, vector<16xi32>,
        tpu.vector_store %arg5[%swap3A_68, %swap3A_69], %bitcast3A_67 {strides = array<i32>} : memref<3125x16xi32, #tpu.memory_space<vmem>>, vector<16xi32>,
      }
      %scan3A_17 = arith.constant 625 : i32
      "tpu.region"() ({
        %run_scoped3A = tpu.sem_alloc : memref<!tpu.dma_semaphore, #tpu.memory_space<semaphore_mem>>
        %dma_start3A = arith.constant 0 : i32
        %dma_start3A_18 = tpu.memref_slice %arg3[%add3A_11, %dma_start3A] : memref<1000000x16xi32, #tpu.memory_space<hbm>> -> memref<3125x16xi32, #tpu.memory_space<hbm>>
        %dma_start3A_19 = arith.constant 0 : i32
        %dma_start3A_20 = tpu.memref_slice %arg3[%add3A_11, %dma_start3A_19] : memref<1000000x16xi32, #tpu.memory_space<hbm>> -> memref<3125x16xi32, #tpu.memory_space<hbm>>
        tpu.enqueue_dma source(%arg5 : memref<3125x16xi32, #tpu.memory_space<vmem>>) target(%dma_start3A_20 : memref<3125x16xi32, #tpu.memory_space<hbm>>) target_semaphore(%run_scoped3A : memref<!tpu.dma_semaphore, #tpu.memory_space<semaphore_mem>>)
        %dma_wait3A = arith.constant 0 : i32
        %dma_wait3A_21 = tpu.memref_slice %arg3[%add3A_11, %dma_wait3A] : memref<1000000x16xi32, #tpu.memory_space<hbm>> -> memref<3125x16xi32, #tpu.memory_space<hbm>>
        %dma_wait3A_22 = arith.constant 0 : i32
        %dma_wait3A_23 = tpu.memref_slice %arg3[%add3A_11, %dma_wait3A_22] : memref<1000000x16xi32, #tpu.memory_space<hbm>> -> memref<3125x16xi32, #tpu.memory_space<hbm>>
        tpu.wait_dma2 semaphore(%run_scoped3A : memref<!tpu.dma_semaphore, #tpu.memory_space<semaphore_mem>>) src(%arg5 : memref<3125x16xi32, #tpu.memory_space<vmem>>) dst(%dma_wait3A_23 : memref<3125x16xi32, #tpu.memory_space<hbm>>)
        tpu.yield
      }) : () -> ()
    }
    %scan3A_5 = arith.constant 10 : i32
    return
  }
}

</mosaic_0001>

<sc_bundles>
// kernel: kernel.4.cloned.1.call-start
scs
__scs_entry_jumppad:
0x0: {  	(pc) =	sbr.rel $0x88, $3  }
0x1: {  	(tag) =	ssettag $0x0;
	lr =	simm.s32 $0x1  }
0x2: {  	[smem:$0x3F9F] =	sst lr;
	_ =	strace $0xD0000000  }
0x3: {  	_ = 	snop  }
0x4: {  	_ = 	snop  }
0x5: {  	_ = 	snop  }
0x6: {  	_ = 	snop  }
0x7: {  	_ = 	snop  }
__scs_overlays_trampoline_lowered:
0x8: {  	[smem:$0x3FAE] =	sst s0  }
0x9: {  	[smem:$0x3FAF] =	sst s1  }
0xa: {  	[smem:$0x3FB0] =	sst s2  }
0xb: {  	[smem:$0x3FB1] =	sst s3  }
0xc: {  	[smem:$0x3FB2] =	sst s4  }
0xd: {  	[smem:$0x3FB3] =	sst s5  }
0xe: {  	[smem:$0x3FB4] =	sst s6  }
0xf: {  	[smem:$0x3FB5] =	sst s7  }
0x10: {  	[smem:$0x3FB6] =	sst s8  }
0x11: {  	[smem:$0x3FB7] =	sst s9;
	s0 =	simm.s32 @!p0 $0x0  }
0x12: {  	s1 =	sld [smem:$0x3F9D];
	s0 =	simm.s32 @p0 $0x1  }
0x13: {  	[smem:$0x3FB8] =	sst s0;
	s0 =	simm.s32 @!p1 $0x0  }
0x14: {  	s2 =	sld [smem:$0x3F9C];
	s0 =	simm.s32 @p1 $0x1  }
0x15: {  	[smem:$0x3FB9] =	sst s0;
	s0 =	simm.s32 @!p2 $0x0  }
0x16: {  	s3 =	sld [smem:$0x3FDB];
	s0 =	simm.s32 @p2 $0x1  }
0x17: {  	s4 =	simm.s32 $0x1BF5;
	[smem:$0x3FBB] =	sst s0  }
0x18: {  	s0 =	sld [smem:$0x3F9E];
	_ =	swait.ge [sflag:s4], $0x0  }
0x19: {  	s7 =	sld [smem:$0x3F9F]  }
0x1a: {  	s8 =	sadd.s32 $0xFFFFE003, lr  }
0x1b: {  	s9 =	sadd.s32 $0xFFFFFEF7, lr;
	s5 =	simm.s32 $0xFFFFFFFF;
	p2 =	slt.u32 s8, $0xFFFFF086  }
0x1c: {  	p1 =	slt.u32 s9, $0xF7A;
	s5 =	simm.s32 @!p2 $0x0  }
0x1d: {  	s5 =	simm.s32 @p1 $0x1;
	p0 =	seq.s32 s7, s2  }
0x1e: {  	s7 =	smul.u32 @!p0 $0xF7A, s2;
	p2 =	seq.s32 @!p0 s5, $0x0  }
0x1f: {  	s9 =	smul.u32 $0xF7A, s1;
	s8 =	simm.s32 @!p0 $0x1BF5;
	p2 =	por !p2, p0  }
0x20: {  	[sflag:s8] =	ssyncset.s32 @!p0 $0xFFFFF086;
	s6 =	sadd.s32 @!p0 s3, s7;
	s7 =	simm.s32 @!p0 $0x108  }
0x21: {  	s3 =	sadd.s32 s3, s9;
	s6 =	sadd.s32 @!p0 $0x88, s6;
	s7 =	simm.s32 @p2 $0x1082  }
0x22: {  	[simem:s7], [sflag:s8] =	dma.local @!p0 [hbm:s6], $0xF7A  }
0x23: {  	s9 =	sor.u32 $0xD0000000, s2;
	s6 =	simm.s32 $0x108;
	_ =	swait.ge @!p0 [sflag:s8], $0x0  }
0x24: {  	s3 =	sadd.s32 $0x88, s3;
	s6 =	simm.s32 @!p1 $0x1082;
	[sflag:s4] =	ssyncset.s32 $0xFFFFF086  }
0x25: {  	[simem:s6], [sflag:s4] =	dma.local [hbm:s3], $0xF7A  }
0x26: {  	[smem:$0x3F9F] =	sst s1;
	(tag) =	ssettag s2;
	_ =	strace s9  }
0x27: {  	s1 =	sld [smem:$0x3FAF]  }
0x28: {  	s2 =	sld [smem:$0x3FB0]  }
0x29: {  	s4 =	sld [smem:$0x3FB2]  }
0x2a: {  	p0 =	seq.s32 s5, $0x0;
	s5 =	sld [smem:$0x3FB3]  }
0x2b: {  	s6 =	sld [smem:$0x3FB4]  }
0x2c: {  	s7 =	sld [smem:$0x3FB5]  }
0x2d: {  	s3 =	simm.s32 $0x108;
	s8 =	sld [smem:$0x3FB6]  }
0x2e: {  	s3 =	simm.s32 @!p0 $0x1082;
	s9 =	sld [smem:$0x3FB7]  }
0x2f: {  	lr =	sadd.s32 s0, s3;
	s0 =	sld [smem:$0x3FAE]  }
0x30: {  	s3 =	sld [smem:$0x3FB1]  }
0x31: {  	[smem:$0x3FBA] =	sst s10  }
0x32: {  	s10 =	sld [smem:$0x3FB8];
	_ =	sdelay $0x3  }
0x33: {  	p0 =	seq.s32 s10, $0x1;
	s10 =	sld [smem:$0x3FBA];
	_ =	sdelay $0x3  }
0x34: {  	[smem:$0x3FBA] =	sst s10  }
0x35: {  	s10 =	sld [smem:$0x3FB9];
	_ =	sdelay $0x3  }
0x36: {  	p1 =	seq.s32 s10, $0x1;
	s10 =	sld [smem:$0x3FBA];
	_ =	sdelay $0x3  }
0x37: {  	[smem:$0x3FBA] =	sst s10  }
0x38: {  	s10 =	sld [smem:$0x3FBB]  }
0x39: {  	_ = 	snop;
	(pc) =	sbr.ind lr, $3  }
0x3a: {  	_ = 	snop  }
0x3b: {  	_ = 	snop  }
0x3c: {  	p2 =	seq.s32 s10, $0x1;
	s10 =	sld [smem:$0x3FBA]  }
0x3d: {  	_ =	shalt  }
0x3e: {  	_ =	shalt  }
0x3f: {  	_ =	shalt  }
0x40: {  	_ =	shalt  }
0x41: {  	_ =	shalt  }
0x42: {  	_ =	shalt  }
0x43: {  	_ =	shalt  }
0x44: {  	_ =	shalt  }
0x45: {  	_ =	shalt  }
0x46: {  	_ =	shalt  }
0x47: {  	_ =	shalt  }
0x48: {  	_ =	shalt  }
0x49: {  	_ =	shalt  }
0x4a: {  	_ =	shalt  }
0x4b: {  	_ =	shalt  }
0x4c: {  	_ =	shalt  }
0x4d: {  	_ =	shalt  }
0x4e: {  	_ =	shalt  }
0x4f: {  	_ =	shalt  }
0x50: {  	_ =	shalt  }
0x51: {  	_ =	shalt  }
0x52: {  	_ =	shalt  }
0x53: {  	_ =	shalt  }
0x54: {  	_ =	shalt  }
0x55: {  	_ =	shalt  }
0x56: {  	_ =	shalt  }
0x57: {  	_ =	shalt  }
0x58: {  	_ =	shalt  }
0x59: {  	_ =	shalt  }
0x5a: {  	_ =	shalt  }
0x5b: {  	_ =	shalt  }
0x5c: {  	_ =	shalt  }
0x5d: {  	_ =	shalt  }
0x5e: {  	_ =	shalt  }
0x5f: {  	_ =	shalt  }
0x60: {  	_ =	shalt  }
0x61: {  	_ =	shalt  }
0x62: {  	_ =	shalt  }
0x63: {  	_ =	shalt  }
0x64: {  	_ =	shalt  }
0x65: {  	_ =	shalt  }
0x66: {  	_ =	shalt  }
0x67: {  	_ =	shalt  }
0x68: {  	_ =	shalt  }
0x69: {  	_ =	shalt  }
0x6a: {  	_ =	shalt  }
0x6b: {  	_ =	shalt  }
0x6c: {  	_ =	shalt  }
0x6d: {  	_ =	shalt  }
0x6e: {  	_ =	shalt  }
0x6f: {  	_ =	shalt  }
0x70: {  	_ =	shalt  }
0x71: {  	_ =	shalt  }
0x72: {  	_ =	shalt  }
0x73: {  	_ =	shalt  }
0x74: {  	_ =	shalt  }
0x75: {  	_ =	shalt  }
0x76: {  	_ =	shalt  }
0x77: {  	_ =	shalt  }
0x78: {  	_ =	shalt  }
0x79: {  	_ =	shalt  }
0x7a: {  	_ =	shalt  }
0x7b: {  	_ =	shalt  }
0x7c: {  	_ =	shalt  }
0x7d: {  	_ =	shalt  }
0x7e: {  	_ =	shalt  }
0x7f: {  	_ =	shalt  }
0x80: {  	_ =	shalt  }
0x81: {  	_ =	shalt  }
0x82: {  	_ =	shalt  }
0x83: {  	_ =	shalt  }
0x84: {  	_ =	shalt  }
0x85: {  	_ =	shalt  }
0x86: {  	_ =	shalt  }
0x87: {  	_ =	shalt  }
.Lfunc_end0:
.L_simem_size_0:
called_computation.1_lowered:
.L_overlay_start_0:
0x88: {  	s2 =	sld [smem:$0x3FD9]  }
0x89: {  	s3 =	sld [smem:$0x3FFE];
	_ =	sdelay $0x1  }
0x8a: {  	s1 =	srdreg.scid  }
0x8b: {  	s0 =	sand.u32 $0x1, s1  }
0x8c: {  	s16 =	sshll.u32 s0, $0xA;
	s2 =	sadd.s32 s3, s2  }
0x8d: {  	s2 =	sadd.s32 s2, s16  }
0x8e: {  	[smem:$0x3FC6] =	sst s2  }
0x8f: {  	_ = 	snop  }
0x90: {  	(tm) =	ssettm $0x1  }
0x91: {  	s17 =	sld [smem:$0x3FFB];
	_ =	sdelay $0x3  }
0x92: {  	_ =	strace s17  }
0x93: {  	s2 =	sld [smem:$0x3FFC];
	_ =	sdelay $0x3  }
0x94: {  	_ =	strace s2  }
0x95: {  	s2 =	sld [smem:$0x3FFD];
	_ =	sdelay $0x3  }
0x96: {  	_ =	strace s2  }
0x97: {  	_ =	strace $0x8FFFFFFF  }
0x98: {  	s18 =	sld [smem:$0x3FDB];
	_ =	sdelay $0x1  }
0x99: {  	s19 =	simm.s32 $_scs_section_size  }
0x9a: {  	s4 =	simm.s32 $_size__tile_overlayer_lowered;
	s5 =	simm.s32 $_tile_overlayer_lowered  }
0x9b: {  	s22 =	simm.s32 $0x1BFF;
	s21 =	sshll.u32 s5, $0x1;
	s2 =	sadd.s32 s19, s18  }
0x9c: {  	s6 =	simm.s32 $0x0;
	s20 =	sshll.u32 s4, $0x1;
	s4 =	sadd.s32 s21, s2  }
0x9d: {  	[timem:s6], [sflag:s22] =	dma.local [hbm:s4], s20  }
0x9e: {  	_ =	swait.ge [sflag:s22], s20  }
0x9f: {  	s3 =	ssub.s32 $0x0, s20;
	[sflag:s22] =	ssyncset.done $0x0  }
0xa0: {  	[sflag:s22] =	ssyncadd.s32 s3;
	_ =	sdelay $0x1  }
0xa1: {  	s23 =	simm.s32 $0x1B8B  }
0xa2: {  	_ =	swait.ge [sflag:s23], $0x1  }
0xa3: {  	[sflag:s23] =	ssyncset.done $0x0  }
0xa4: {  	s25 =	simm.s32 $0x1B8E;
	s24 =	sld [smem:$0x3FFE];
	[sflag:s23] =	ssyncadd.s32 $0xFFFFFFFF  }
0xa5: {  	s26 =	simm.s32 $execute0_lowered;
	[smem:$0x3FD2] =	sst s25  }
0xa6: {  	s4 =	sshll.u32 s26, $0x1;
	_ =	strace $0x80000049;
	[dreg:$0x1] =	wrdreg $0xFFFFFFFF  }
0xa7: {  	s28 =	simm.s32 $_size_execute0_lowered;
	s2 =	sadd.s32 s2, s4;
	[dreg:$0x0] =	wrdreg $0x0  }
0xa8: {  	s4 =	sshll.u32 s28, $0x1;
	[dreg:$0x2] =	wrdreg s2  }
0xa9: {  	[dreg:$0x3] =	wrdreg s4  }
0xaa: {  	[dreg:$0x4] =	wrdreg $0xC0  }
0xab: {  	_ =	task [dreg:s6], $0x5FFFF  }
0xac: {  	[dreg:$0x1] =	wrdreg $0xFFFFFFFF  }
0xad: {  	[dreg:$0x0] =	wrdreg $0x60  }
0xae: {  	[dreg:$0x2] =	wrdreg s24  }
0xaf: {  	[dreg:$0x3] =	wrdreg $0x9  }
0xb0: {  	_ =	task.clear_ibuf [dreg:s6], $0x4FFFF;
	_ =	strace $0x90000049  }
0xb1: {  	s29 =	simm.s32 $0x9;
	_ =	strace $0x8000004B  }
0xb2: {  	_ =	swait.ge [sflag:s29], $0x1  }
0xb3: {  	[sflag:s29] =	ssyncadd.s32 $0xFFFFFFFF  }
0xb4: {  	_ =	strace $0x9000004B  }
0xb5: {  	_ =	sfence  }
0xb6: {  	s30 =	sld [smem:$0x0];
	_ =	sdelay $0x2  }
0xb7: {  	s31 =	sshll.u32 s1, $0xD;
	s1 =	sshrl.u32 s1, $0x2  }
0xb8: {  	s3 =	sand.u32 $0x4000, s31;
	s1 =	sadd.s32 s1, s30  }
0xb9: {  	s0 =	sor.u32 s3, s0;
	s1 =	sshll.u32 s1, $0x11  }
0xba: {  	s0 =	sor.u32 s1, s0  }
0xbb: {  	s0 =	sadd.s32 $0x8F2B, s0  }
0xbc: {  	[sflag:s0] =	ssyncadd.remote.s32 $0x1  }
0xbd: {  	_ =	sfence.sel $0xFFFF  }
0xbe: {  	[dreg:$0x0] =	wrdreg $0xFFFFFFFF;
	(pc) =	sbr.abs _section_cstart, $3  }
0xbf: {  	[dreg:$0x1] =	wrdreg $0xFFFFFFFF  }
0xc0: {  	_ =	task.clear_ibuf [dreg:s6], $0x2FFFF;
	_ =	strace $0x9FFFFFFF  }
0xc1: {  	(tm) =	ssettm $0x7FFFFFFF  }
tec
execute0_lowered:
.L_overlay_start_1:
0x0: {  	(tag) =	ssettag $0x1  }
0x1: {  	s4 =	rddreg [dreg:$0x0];
	s1 =	srdreg.scid  }
0x2: {  	s0 =	rddreg [dreg:$0x1];
	s2 =	simm.s32 $0x0;
	s9 =	simm.s32 $0x0  }
0x3: {  	s5 =	sand.u32 $0x1, s1;
	[smem:$0x7FF] =	sst s2;
	s1 =	stileid.u32  }
0x4: {  	s3 =	sadd.s32 $0x1E9400, s4;
	s4 =	sadd.s32 $0xE00, s4;
	s6 =	ssub.s32 $0x2, s5  }
0x5: {  	_ =	strace $0x8000004A;
	s8 =	sshll.u32 s1, $0x1;
	s7 =	sshrl.u32 s6, $0x1  }
0x6: {  	s5 =	sor.u32 s5, s8;
	s8 =	simm.s32 $0xC350;
	s6 =	ssub.s32 s6, s7  }
0x7: {  	s5 =	smul.u32 $0x7A12, s5;
	s7 =	simm.s32 $0x1;
	s6 =	smax.u32 s6, $0x1  }
.LBB2_1:
0x8: {  	s10 =	simm.s32 $0x0  }
.LBB2_2:
0x9: {  	s11 =	smul.u32 $0xC35, s10;
	_ =	sdelay $0x1  }
0xa: {  	s11 =	sadd.s32 s5, s11  }
0xb: {  	s11 =	sshll.u32 s11, $0x1  }
0xc: {  	s13 =	simm.s32 $0x0;
	s12 =	sadd.s32 s3, s11  }
0xd: {  	[tilespmem:s13], [sflag:$0x1] =	stream.linear.gather [hbm4b:s12+s13], $0xC350, $0x38;
	[tilespmem:$0x186A0] =	vst v63  }
0xe: {  	_ =	swait.ge [sflag:s7], $0xC350  }
0xf: {  	[sflag:s7] =	ssyncset.done $0x0  }
0x10: {  	s12 =	simm.s32 $0x0;
	[sflag:s7] =	ssyncadd.s32 $0xFFFF3CB0  }
0x11: {  	v0 =	vld [tilespmem:s12+$0x40]  }
0x12: {  	v1 =	vld [tilespmem:s12+$0x0]  }
0x13: {  	v2 =	vld [tilespmem:s12+$0x10]  }
0x14: {  	v3 =	vld [tilespmem:s12+$0x20]  }
0x15: {  	s13 =	simm.s32 $0x140;
	v4 =	vld [tilespmem:s12+$0x30]  }
.LBB2_3:
0x16: {  	s14 =	sshra.s32 s13, $0x2;
	p0 =	sne.s32 s13, $0x30C00;
	s13 =	sadd.s32 $0x140, s13;
	[tilespmem:s12+$0xC390] =	vst v0  }
.Ltmp0:
0x17: {  	v0 =	vld [tilespmem:s14+$0x40];
	[tilespmem:s12+$0xC350] =	vst v1;
	(pc) =	sbr.rel @p0 .LBB2_3-.Ltmp0, $4  }
0x18: {  	v1 =	vld [tilespmem:s14+$0x0];
	[tilespmem:s12+$0xC360] =	vst v2  }
0x19: {  	v2 =	vld [tilespmem:s14+$0x10];
	[tilespmem:s12+$0xC370] =	vst v3  }
0x1a: {  	v3 =	vld [tilespmem:s14+$0x20];
	[tilespmem:s12+$0xC380] =	vst v4;
	s12 =	smov.u32 s14  }
0x1b: {  	v4 =	vld [tilespmem:s12+$0x30]  }
0x1c: {  	[tilespmem:s12+$0xC390] =	vst v0  }
0x1d: {  	[tilespmem:s12+$0xC350] =	vst v1  }
0x1e: {  	s10 =	sadd.s32 $0x1, s10;
	[tilespmem:s12+$0xC360] =	vst v2  }
0x1f: {  	p0 =	sne.s32 s10, $0xA;
	[tilespmem:s12+$0xC370] =	vst v3  }
.Ltmp1:
0x20: {  	s11 =	sadd.s32 s4, s11;
	[tilespmem:s12+$0xC380] =	vst v4;
	(pc) =	sbr.rel @p0 .LBB2_2-.Ltmp1, $4  }
0x21: {  	[hbm4b:s11+s2] =	stream.linear.scatter [tilespmem:s8], [sflag:$0x1], $0xC350, $0x38;
	[tilespmem:$0x186A0] =	vst v63  }
0x22: {  	_ =	swait.ge [sflag:s7], $0xC350  }
0x23: {  	[sflag:s7] =	ssyncset.done $0x0  }
0x24: {  	[sflag:s7] =	ssyncadd.s32 $0xFFFF3CB0  }
0x25: {  	s9 =	sadd.s32 $0x1, s9  }
0x26: {  	p0 =	sne.s32 s9, s6  }
.Ltmp2:
0x27: {  	_ = 	snop;
	(pc) =	sbr.rel @p0 .LBB2_1-.Ltmp2, $1  }
0x28: {  	_ =	sdelay $0x3  }
0x29: {  	_ =	sfence.sel $0x180000  }
0x2a: {  	[bflag:$0x0] =	sbarrier.arrive $0xFFFF  }
0x2b: {  	p0 =	sne.s32 s1, $0x0;
	_ =	strace $0x9000004A  }
0x2c: {  	s0 =	sadd.s32 @!p0 $0x100000, s0;
	[bflag:$0x2] =	sbarrier.arrive $0xFFFF  }
0x2d: {  	[sflag:s0] =	ssyncadd.tile.s32 @!p0 $0x1;
	_ =	shalt  }
.Lfunc_end2:
_tile_overlayer_lowered:
.L_overlay_start_2:
0x2e: {  	(tag) =	ssettag $0x2  }
0x2f: {  	s0 =	rddreg [dreg:$0x0];
	s2 =	stileid.u32  }
0x30: {  	s1 =	rddreg [dreg:$0x1];
	p0 =	sne.s32 s2, $0x0  }
0x31: {  	s3 =	rddreg [dreg:$0x2];
	[bflag:$0x3] =	sbarrier.arrive $0xFFFF;
	s2 =	simm.s32 @!p0 $0x1C01  }
0x32: {  	[timem:s3], [sflag:s2] =	dma.local @!p0 [hbm:s0], s1  }
0x33: {  	s0 =	simm.s32 @!p0 $0x1  }
0x34: {  	_ =	swait.ge @!p0 [sflag:s0], s1  }
0x35: {  	s1 =	ssub.s32 @!p0 $0x0, s1;
	[sflag:s0] =	ssyncset.done @!p0 $0x0  }
0x36: {  	[sflag:s0] =	ssyncadd.s32 @!p0 s1  }
0x37: {  	[bflag:$0x3] =	sbarrier.arrive $0xFFFF  }
0x38: {  	_ =	shalt  }

// kernel: kernel.7.cloned.1.call-start
scs
__scs_entry_jumppad:
0x0: {  	(pc) =	sbr.rel $0x88, $3  }
0x1: {  	(tag) =	ssettag $0x0;
	lr =	simm.s32 $0x1  }
0x2: {  	[smem:$0x3F9F] =	sst lr;
	_ =	strace $0xD0000000  }
0x3: {  	_ = 	snop  }
0x4: {  	_ = 	snop  }
0x5: {  	_ = 	snop  }
0x6: {  	_ = 	snop  }
0x7: {  	_ = 	snop  }
__scs_overlays_trampoline_lowered:
0x8: {  	[smem:$0x3FAE] =	sst s0  }
0x9: {  	[smem:$0x3FAF] =	sst s1  }
0xa: {  	[smem:$0x3FB0] =	sst s2  }
0xb: {  	[smem:$0x3FB1] =	sst s3  }
0xc: {  	[smem:$0x3FB2] =	sst s4  }
0xd: {  	[smem:$0x3FB3] =	sst s5  }
0xe: {  	[smem:$0x3FB4] =	sst s6  }
0xf: {  	[smem:$0x3FB5] =	sst s7  }
0x10: {  	[smem:$0x3FB6] =	sst s8  }
0x11: {  	[smem:$0x3FB7] =	sst s9;
	s0 =	simm.s32 @!p0 $0x0  }
0x12: {  	s1 =	sld [smem:$0x3F9D];
	s0 =	simm.s32 @p0 $0x1  }
0x13: {  	[smem:$0x3FB8] =	sst s0;
	s0 =	simm.s32 @!p1 $0x0  }
0x14: {  	s2 =	sld [smem:$0x3F9C];
	s0 =	simm.s32 @p1 $0x1  }
0x15: {  	[smem:$0x3FB9] =	sst s0;
	s0 =	simm.s32 @!p2 $0x0  }
0x16: {  	s3 =	sld [smem:$0x3FDB];
	s0 =	simm.s32 @p2 $0x1  }
0x17: {  	s4 =	simm.s32 $0x1BF5;
	[smem:$0x3FBB] =	sst s0  }
0x18: {  	s0 =	sld [smem:$0x3F9E];
	_ =	swait.ge [sflag:s4], $0x0  }
0x19: {  	s7 =	sld [smem:$0x3F9F]  }
0x1a: {  	s8 =	sadd.s32 $0xFFFFE003, lr  }
0x1b: {  	s9 =	sadd.s32 $0xFFFFFEF7, lr;
	s5 =	simm.s32 $0xFFFFFFFF;
	p2 =	slt.u32 s8, $0xFFFFF086  }
0x1c: {  	p1 =	slt.u32 s9, $0xF7A;
	s5 =	simm.s32 @!p2 $0x0  }
0x1d: {  	s5 =	simm.s32 @p1 $0x1;
	p0 =	seq.s32 s7, s2  }
0x1e: {  	s7 =	smul.u32 @!p0 $0xF7A, s2;
	p2 =	seq.s32 @!p0 s5, $0x0  }
0x1f: {  	s9 =	smul.u32 $0xF7A, s1;
	s8 =	simm.s32 @!p0 $0x1BF5;
	p2 =	por !p2, p0  }
0x20: {  	[sflag:s8] =	ssyncset.s32 @!p0 $0xFFFFF086;
	s6 =	sadd.s32 @!p0 s3, s7;
	s7 =	simm.s32 @!p0 $0x108  }
0x21: {  	s3 =	sadd.s32 s3, s9;
	s6 =	sadd.s32 @!p0 $0x88, s6;
	s7 =	simm.s32 @p2 $0x1082  }
0x22: {  	[simem:s7], [sflag:s8] =	dma.local @!p0 [hbm:s6], $0xF7A  }
0x23: {  	s9 =	sor.u32 $0xD0000000, s2;
	s6 =	simm.s32 $0x108;
	_ =	swait.ge @!p0 [sflag:s8], $0x0  }
0x24: {  	s3 =	sadd.s32 $0x88, s3;
	s6 =	simm.s32 @!p1 $0x1082;
	[sflag:s4] =	ssyncset.s32 $0xFFFFF086  }
0x25: {  	[simem:s6], [sflag:s4] =	dma.local [hbm:s3], $0xF7A  }
0x26: {  	[smem:$0x3F9F] =	sst s1;
	(tag) =	ssettag s2;
	_ =	strace s9  }
0x27: {  	s1 =	sld [smem:$0x3FAF]  }
0x28: {  	s2 =	sld [smem:$0x3FB0]  }
0x29: {  	s4 =	sld [smem:$0x3FB2]  }
0x2a: {  	p0 =	seq.s32 s5, $0x0;
	s5 =	sld [smem:$0x3FB3]  }
0x2b: {  	s6 =	sld [smem:$0x3FB4]  }
0x2c: {  	s7 =	sld [smem:$0x3FB5]  }
0x2d: {  	s3 =	simm.s32 $0x108;
	s8 =	sld [smem:$0x3FB6]  }
0x2e: {  	s3 =	simm.s32 @!p0 $0x1082;
	s9 =	sld [smem:$0x3FB7]  }
0x2f: {  	lr =	sadd.s32 s0, s3;
	s0 =	sld [smem:$0x3FAE]  }
0x30: {  	s3 =	sld [smem:$0x3FB1]  }
0x31: {  	[smem:$0x3FBA] =	sst s10  }
0x32: {  	s10 =	sld [smem:$0x3FB8];
	_ =	sdelay $0x3  }
0x33: {  	p0 =	seq.s32 s10, $0x1;
	s10 =	sld [smem:$0x3FBA];
	_ =	sdelay $0x3  }
0x34: {  	[smem:$0x3FBA] =	sst s10  }
0x35: {  	s10 =	sld [smem:$0x3FB9];
	_ =	sdelay $0x3  }
0x36: {  	p1 =	seq.s32 s10, $0x1;
	s10 =	sld [smem:$0x3FBA];
	_ =	sdelay $0x3  }
0x37: {  	[smem:$0x3FBA] =	sst s10  }
0x38: {  	s10 =	sld [smem:$0x3FBB]  }
0x39: {  	_ = 	snop;
	(pc) =	sbr.ind lr, $3  }
0x3a: {  	_ = 	snop  }
0x3b: {  	_ = 	snop  }
0x3c: {  	p2 =	seq.s32 s10, $0x1;
	s10 =	sld [smem:$0x3FBA]  }
0x3d: {  	_ =	shalt  }
0x3e: {  	_ =	shalt  }
0x3f: {  	_ =	shalt  }
0x40: {  	_ =	shalt  }
0x41: {  	_ =	shalt  }
0x42: {  	_ =	shalt  }
0x43: {  	_ =	shalt  }
0x44: {  	_ =	shalt  }
0x45: {  	_ =	shalt  }
0x46: {  	_ =	shalt  }
0x47: {  	_ =	shalt  }
0x48: {  	_ =	shalt  }
0x49: {  	_ =	shalt  }
0x4a: {  	_ =	shalt  }
0x4b: {  	_ =	shalt  }
0x4c: {  	_ =	shalt  }
0x4d: {  	_ =	shalt  }
0x4e: {  	_ =	shalt  }
0x4f: {  	_ =	shalt  }
0x50: {  	_ =	shalt  }
0x51: {  	_ =	shalt  }
0x52: {  	_ =	shalt  }
0x53: {  	_ =	shalt  }
0x54: {  	_ =	shalt  }
0x55: {  	_ =	shalt  }
0x56: {  	_ =	shalt  }
0x57: {  	_ =	shalt  }
0x58: {  	_ =	shalt  }
0x59: {  	_ =	shalt  }
0x5a: {  	_ =	shalt  }
0x5b: {  	_ =	shalt  }
0x5c: {  	_ =	shalt  }
0x5d: {  	_ =	shalt  }
0x5e: {  	_ =	shalt  }
0x5f: {  	_ =	shalt  }
0x60: {  	_ =	shalt  }
0x61: {  	_ =	shalt  }
0x62: {  	_ =	shalt  }
0x63: {  	_ =	shalt  }
0x64: {  	_ =	shalt  }
0x65: {  	_ =	shalt  }
0x66: {  	_ =	shalt  }
0x67: {  	_ =	shalt  }
0x68: {  	_ =	shalt  }
0x69: {  	_ =	shalt  }
0x6a: {  	_ =	shalt  }
0x6b: {  	_ =	shalt  }
0x6c: {  	_ =	shalt  }
0x6d: {  	_ =	shalt  }
0x6e: {  	_ =	shalt  }
0x6f: {  	_ =	shalt  }
0x70: {  	_ =	shalt  }
0x71: {  	_ =	shalt  }
0x72: {  	_ =	shalt  }
0x73: {  	_ =	shalt  }
0x74: {  	_ =	shalt  }
0x75: {  	_ =	shalt  }
0x76: {  	_ =	shalt  }
0x77: {  	_ =	shalt  }
0x78: {  	_ =	shalt  }
0x79: {  	_ =	shalt  }
0x7a: {  	_ =	shalt  }
0x7b: {  	_ =	shalt  }
0x7c: {  	_ =	shalt  }
0x7d: {  	_ =	shalt  }
0x7e: {  	_ =	shalt  }
0x7f: {  	_ =	shalt  }
0x80: {  	_ =	shalt  }
0x81: {  	_ =	shalt  }
0x82: {  	_ =	shalt  }
0x83: {  	_ =	shalt  }
0x84: {  	_ =	shalt  }
0x85: {  	_ =	shalt  }
0x86: {  	_ =	shalt  }
0x87: {  	_ =	shalt  }
.Lfunc_end0:
.L_simem_size_0:
called_computation.2_lowered:
.L_overlay_start_0:
0x88: {  	s2 =	sld [smem:$0x3FD9]  }
0x89: {  	s3 =	sld [smem:$0x3FFE];
	_ =	sdelay $0x1  }
0x8a: {  	s1 =	srdreg.scid  }
0x8b: {  	s0 =	sand.u32 $0x1, s1  }
0x8c: {  	s17 =	sshll.u32 s0, $0xA;
	s2 =	sadd.s32 s3, s2  }
0x8d: {  	s2 =	sadd.s32 s2, s17  }
0x8e: {  	[smem:$0x3FC6] =	sst s2  }
0x8f: {  	_ = 	snop  }
0x90: {  	s2 =	sld [smem:$0x3FD0];
	(tm) =	ssettm $0x1  }
0x91: {  	s18 =	sld [smem:$0x3FFB];
	_ =	sdelay $0x3  }
0x92: {  	_ =	strace s18  }
0x93: {  	s3 =	sld [smem:$0x3FFC];
	_ =	sdelay $0x3  }
0x94: {  	_ =	strace s3  }
0x95: {  	s3 =	sld [smem:$0x3FFD];
	_ =	sdelay $0x3  }
0x96: {  	_ =	strace s3  }
0x97: {  	_ =	strace $0x8FFFFFFF  }
0x98: {  	s19 =	sld [smem:$0x3FDB];
	_ =	sdelay $0x1  }
0x99: {  	s4 =	simm.s32 $_scs_section_size  }
0x9a: {  	s5 =	simm.s32 $_size__tile_overlayer_lowered;
	s6 =	simm.s32 $_tile_overlayer_lowered  }
0x9b: {  	s22 =	simm.s32 $0x1BFF;
	s21 =	sshll.u32 s6, $0x1;
	s3 =	sadd.s32 s4, s19  }
0x9c: {  	s7 =	simm.s32 $0x0;
	s20 =	sshll.u32 s5, $0x1;
	s5 =	sadd.s32 s21, s3  }
0x9d: {  	[timem:s7], [sflag:s22] =	dma.local [hbm:s5], s20  }
0x9e: {  	_ =	swait.ge [sflag:s22], s20  }
0x9f: {  	s4 =	ssub.s32 $0x0, s20;
	[sflag:s22] =	ssyncset.done $0x0  }
0xa0: {  	[sflag:s22] =	ssyncadd.s32 s4;
	_ =	sdelay $0x1  }
0xa1: {  	s23 =	simm.s32 $0x1B8B  }
0xa2: {  	_ =	swait.ge [sflag:s23], $0x1  }
0xa3: {  	[sflag:s23] =	ssyncset.done $0x0  }
0xa4: {  	s25 =	simm.s32 $0x1B8E;
	s24 =	sld [smem:$0x3FFE];
	[sflag:s23] =	ssyncadd.s32 $0xFFFFFFFF  }
0xa5: {  	s26 =	simm.s32 $execute0_lowered;
	[smem:$0x3FD2] =	sst s25  }
0xa6: {  	s5 =	sshll.u32 s26, $0x1;
	_ =	strace $0x8000004C;
	[dreg:$0x1] =	wrdreg $0xFFFFFFFF  }
0xa7: {  	s28 =	simm.s32 $_size_execute0_lowered;
	s3 =	sadd.s32 s3, s5;
	[dreg:$0x0] =	wrdreg $0x0  }
0xa8: {  	s5 =	sshll.u32 s28, $0x1;
	[dreg:$0x2] =	wrdreg s3  }
0xa9: {  	[dreg:$0x3] =	wrdreg s5  }
0xaa: {  	[dreg:$0x4] =	wrdreg $0xC0  }
0xab: {  	_ =	task [dreg:s7], $0x5FFFF  }
0xac: {  	[dreg:$0x1] =	wrdreg $0xFFFFFFFF  }
0xad: {  	[dreg:$0x0] =	wrdreg $0x60  }
0xae: {  	[dreg:$0x2] =	wrdreg s2  }
0xaf: {  	[dreg:$0x3] =	wrdreg s24  }
0xb0: {  	[dreg:$0x4] =	wrdreg $0x9  }
0xb1: {  	_ =	task.clear_ibuf [dreg:s7], $0x5FFFF;
	_ =	strace $0x9000004C  }
0xb2: {  	s29 =	simm.s32 $0x9;
	_ =	strace $0x8000004E  }
0xb3: {  	_ =	swait.ge [sflag:s29], $0x1  }
0xb4: {  	[sflag:s29] =	ssyncadd.s32 $0xFFFFFFFF  }
0xb5: {  	_ =	strace $0x9000004E  }
0xb6: {  	_ =	sfence  }
0xb7: {  	s30 =	sld [smem:$0x0];
	_ =	sdelay $0x2  }
0xb8: {  	s31 =	sshll.u32 s1, $0xD;
	s1 =	sshrl.u32 s1, $0x2  }
0xb9: {  	s3 =	sand.u32 $0x4000, s31;
	s1 =	sadd.s32 s1, s30  }
0xba: {  	s0 =	sor.u32 s3, s0;
	s1 =	sshll.u32 s1, $0x11  }
0xbb: {  	s0 =	sor.u32 s1, s0  }
0xbc: {  	s0 =	sadd.s32 $0x8F2B, s0  }
0xbd: {  	[sflag:s0] =	ssyncadd.remote.s32 $0x1  }
0xbe: {  	_ =	sfence.sel $0xFFFF  }
0xbf: {  	[dreg:$0x0] =	wrdreg $0xFFFFFFFF;
	(pc) =	sbr.abs _section_cstart, $3  }
0xc0: {  	[dreg:$0x1] =	wrdreg $0xFFFFFFFF  }
0xc1: {  	_ =	task.clear_ibuf [dreg:s7], $0x2FFFF;
	_ =	strace $0x9FFFFFFF  }
0xc2: {  	(tm) =	ssettm $0x7FFFFFFF  }
0xc3: {  	_ =	shalt  }
tec
execute0_lowered:
.L_overlay_start_1:
0x0: {  	(tag) =	ssettag $0x1  }
0x1: {  	s1 =	rddreg [dreg:$0x0]  }
0x2: {  	s5 =	rddreg [dreg:$0x1]  }
0x3: {  	s0 =	rddreg [dreg:$0x2];
	s2 =	simm.s32 $0x0;
	s3 =	srdreg.scid  }
0x4: {  	s10 =	simm.s32 $0x1;
	s11 =	simm.s32 $0xAC00;
	s12 =	simm.s32 $0x0  }
0x5: {  	[smem:$0x7FF] =	sst s2;
	s6 =	sand.u32 $0x1, s3;
	s4 =	sadd.s32 $0xE00, s5  }
0x6: {  	s3 =	stileid.u32;
	s5 =	sadd.s32 $0x1E9400, s5;
	s7 =	ssub.s32 $0x2, s6  }
0x7: {  	s9 =	sshll.u32 s3, $0xA;
	s6 =	sshll.u32 s6, $0x9;
	s8 =	sshrl.u32 s7, $0x1  }
0x8: {  	_ =	strace $0x8000004D;
	s6 =	sor.u32 s6, s9;
	s7 =	ssub.s32 s7, s8  }
0x9: {  	s9 =	simm.s32 $0x14;
	s8 =	simm.s32 $0x2;
	s7 =	smax.u32 s7, $0x1  }
.LBB2_1:
0xa: {  	s13 =	simm.s32 $0x0  }
.LBB2_2:
0xb: {  	s14 =	sshll.u32 s13, $0x7  }
0xc: {  	s14 =	sadd.s32 s6, s14  }
0xd: {  	s15 =	smul.u32 $0x3, s14;
	_ =	sdelay $0x1  }
0xe: {  	s16 =	sadd.s32 s1, s15;
	s15 =	simm.s32 $0x0  }
0xf: {  	[tilespmem:s15], [sflag:$0x2] =	stream.linear.gather [hbm4b:s16+s15], $0xC00, $0x38;
	[tilespmem:$0x14C00] =	vst v63  }
0x10: {  	_ =	swait.ge [sflag:s8], $0xC00  }
0x11: {  	[sflag:s8] =	ssyncset.done $0x0  }
0x12: {  	s29 =	simm.s32 $0xC00;
	s17 =	simm.s32 $0x0;
	[sflag:s8] =	ssyncadd.s32 $0xFFFFF400  }
0x13: {  	[tilespmem:s29], [sflag:$0x1] =	stream.indirect.gather [hbm4b:s4+s9], $0x10, s17, s9, $0xb8;
	[tilespmem:$0x14C00] =	vst v63  }
0x14: {  	s30 =	simm.s32 $0xD40;
	s31 =	simm.s32 $0x18  }
0x15: {  	[tilespmem:s30], [sflag:$0x1] =	stream.indirect.gather [hbm4b:s4+s9], $0x10, s31, s9, $0xb8;
	[tilespmem:$0x14C00] =	vst v63  }
0x16: {  	s18 =	simm.s32 $0x30;
	s17 =	simm.s32 $0xE80  }
0x17: {  	[tilespmem:s17], [sflag:$0x1] =	stream.indirect.gather [hbm4b:s4+s9], $0x10, s18, s9, $0xb8;
	[tilespmem:$0x14C00] =	vst v63  }
0x18: {  	s19 =	simm.s32 $0xFC0;
	s20 =	simm.s32 $0x48  }
0x19: {  	[tilespmem:s19], [sflag:$0x1] =	stream.indirect.gather [hbm4b:s4+s9], $0x10, s20, s9, $0xb8;
	[tilespmem:$0x14C00] =	vst v63  }
0x1a: {  	s21 =	simm.s32 $0x1100;
	s22 =	simm.s32 $0x60  }
0x1b: {  	[tilespmem:s21], [sflag:$0x1] =	stream.indirect.gather [hbm4b:s4+s9], $0x10, s22, s9, $0xb8;
	[tilespmem:$0x14C00] =	vst v63  }
0x1c: {  	s23 =	simm.s32 $0x1240;
	s24 =	simm.s32 $0x78  }
0x1d: {  	[tilespmem:s23], [sflag:$0x1] =	stream.indirect.gather [hbm4b:s4+s9], $0x10, s24, s9, $0xb8;
	[tilespmem:$0x14C00] =	vst v63  }
0x1e: {  	s25 =	simm.s32 $0x1380;
	s26 =	simm.s32 $0x90  }
0x1f: {  	[tilespmem:s25], [sflag:$0x1] =	stream.indirect.gather [hbm4b:s4+s9], $0x10, s26, s9, $0xb8;
	[tilespmem:$0x14C00] =	vst v63  }
0x20: {  	s28 =	simm.s32 $0x14C0;
	s29 =	simm.s32 $0xA8  }
0x21: {  	[tilespmem:s28], [sflag:$0x1] =	stream.indirect.gather [hbm4b:s4+s9], $0x10, s29, s9, $0xb8;
	[tilespmem:$0x14C00] =	vst v63  }
0x22: {  	s30 =	simm.s32 $0x1600;
	s31 =	simm.s32 $0xC0  }
0x23: {  	[tilespmem:s30], [sflag:$0x1] =	stream.indirect.gather [hbm4b:s4+s9], $0x10, s31, s9, $0xb8;
	[tilespmem:$0x14C00] =	vst v63  }
0x24: {  	s17 =	simm.s32 $0x1740;
	s18 =	simm.s32 $0xD8  }
0x25: {  	[tilespmem:s17], [sflag:$0x1] =	stream.indirect.gather [hbm4b:s4+s9], $0x10, s18, s9, $0xb8;
	[tilespmem:$0x14C00] =	vst v63  }
0x26: {  	s19 =	simm.s32 $0x1880;
	s20 =	simm.s32 $0xF0  }
0x27: {  	[tilespmem:s19], [sflag:$0x1] =	stream.indirect.gather [hbm4b:s4+s9], $0x10, s20, s9, $0xb8;
	[tilespmem:$0x14C00] =	vst v63  }
0x28: {  	s21 =	simm.s32 $0x19C0;
	s22 =	simm.s32 $0x108  }
0x29: {  	[tilespmem:s21], [sflag:$0x1] =	stream.indirect.gather [hbm4b:s4+s9], $0x10, s22, s9, $0xb8;
	[tilespmem:$0x14C00] =	vst v63  }
0x2a: {  	s23 =	simm.s32 $0x1B00;
	s24 =	simm.s32 $0x120  }
0x2b: {  	[tilespmem:s23], [sflag:$0x1] =	stream.indirect.gather [hbm4b:s4+s9], $0x10, s24, s9, $0xb8;
	[tilespmem:$0x14C00] =	vst v63  }
0x2c: {  	s25 =	simm.s32 $0x1C40;
	s26 =	simm.s32 $0x138  }
0x2d: {  	[tilespmem:s25], [sflag:$0x1] =	stream.indirect.gather [hbm4b:s4+s9], $0x10, s26, s9, $0xb8;
	[tilespmem:$0x14C00] =	vst v63  }
0x2e: {  	s28 =	simm.s32 $0x1D80;
	s29 =	simm.s32 $0x150  }
0x2f: {  	[tilespmem:s28], [sflag:$0x1] =	stream.indirect.gather [hbm4b:s4+s9], $0x10, s29, s9, $0xb8;
	[tilespmem:$0x14C00] =	vst v63  }
0x30: {  	s30 =	simm.s32 $0x1EC0;
	s31 =	simm.s32 $0x168  }
0x31: {  	[tilespmem:s30], [sflag:$0x1] =	stream.indirect.gather [hbm4b:s4+s9], $0x10, s31, s9, $0xb8;
	[tilespmem:$0x14C00] =	vst v63  }
0x32: {  	_ =	swait.ge [sflag:s10], $0x140  }
0x33: {  	[sflag:s10] =	ssyncset.done $0x0  }
0x34: {  	[sflag:s10] =	ssyncadd.s32 $0xFFFFFEC0  }
0x35: {  	_ =	swait.ge [sflag:s10], $0x140  }
0x36: {  	[sflag:s10] =	ssyncset.done $0x0  }
0x37: {  	[sflag:s10] =	ssyncadd.s32 $0xFFFFFEC0  }
0x38: {  	_ =	swait.ge [sflag:s10], $0x140  }
0x39: {  	[sflag:s10] =	ssyncset.done $0x0  }
0x3a: {  	[sflag:s10] =	ssyncadd.s32 $0xFFFFFEC0  }
0x3b: {  	_ =	swait.ge [sflag:s10], $0x140  }
0x3c: {  	[sflag:s10] =	ssyncset.done $0x0  }
0x3d: {  	[sflag:s10] =	ssyncadd.s32 $0xFFFFFEC0  }
0x3e: {  	_ =	swait.ge [sflag:s10], $0x140  }
0x3f: {  	[sflag:s10] =	ssyncset.done $0x0  }
0x40: {  	[sflag:s10] =	ssyncadd.s32 $0xFFFFFEC0  }
0x41: {  	_ =	swait.ge [sflag:s10], $0x140  }
0x42: {  	[sflag:s10] =	ssyncset.done $0x0  }
0x43: {  	[sflag:s10] =	ssyncadd.s32 $0xFFFFFEC0  }
0x44: {  	_ =	swait.ge [sflag:s10], $0x140  }
0x45: {  	[sflag:s10] =	ssyncset.done $0x0  }
0x46: {  	[sflag:s10] =	ssyncadd.s32 $0xFFFFFEC0  }
0x47: {  	_ =	swait.ge [sflag:s10], $0x140  }
0x48: {  	[sflag:s10] =	ssyncset.done $0x0  }
0x49: {  	[sflag:s10] =	ssyncadd.s32 $0xFFFFFEC0  }
0x4a: {  	_ =	swait.ge [sflag:s10], $0x140  }
0x4b: {  	[sflag:s10] =	ssyncset.done $0x0  }
0x4c: {  	[sflag:s10] =	ssyncadd.s32 $0xFFFFFEC0  }
0x4d: {  	_ =	swait.ge [sflag:s10], $0x140  }
0x4e: {  	[sflag:s10] =	ssyncset.done $0x0  }
0x4f: {  	[sflag:s10] =	ssyncadd.s32 $0xFFFFFEC0  }
0x50: {  	_ =	swait.ge [sflag:s10], $0x140  }
0x51: {  	[sflag:s10] =	ssyncset.done $0x0  }
0x52: {  	[sflag:s10] =	ssyncadd.s32 $0xFFFFFEC0  }
0x53: {  	_ =	swait.ge [sflag:s10], $0x140  }
0x54: {  	[sflag:s10] =	ssyncset.done $0x0  }
0x55: {  	[sflag:s10] =	ssyncadd.s32 $0xFFFFFEC0  }
0x56: {  	_ =	swait.ge [sflag:s10], $0x140  }
0x57: {  	[sflag:s10] =	ssyncset.done $0x0  }
0x58: {  	[sflag:s10] =	ssyncadd.s32 $0xFFFFFEC0  }
0x59: {  	_ =	swait.ge [sflag:s10], $0x140  }
0x5a: {  	[sflag:s10] =	ssyncset.done $0x0  }
0x5b: {  	[sflag:s10] =	ssyncadd.s32 $0xFFFFFEC0  }
0x5c: {  	_ =	swait.ge [sflag:s10], $0x140  }
0x5d: {  	[sflag:s10] =	ssyncset.done $0x0  }
0x5e: {  	[sflag:s10] =	ssyncadd.s32 $0xFFFFFEC0  }
0x5f: {  	s16 =	simm.s32 $0x2000;
	_ =	swait.ge [sflag:s10], $0x140  }
0x60: {  	s17 =	simm.s32 $0x600;
	s20 =	simm.s32 $0xC00;
	[sflag:s10] =	ssyncset.done $0x0  }
.LBB2_3:
0x61: {  	s19 =	sshra.s32 s17, $0x2  }
0x62: {  	[sflag:s10] =	ssyncadd.s32 $0xFFFFFEC0;
	s17 =	smov.u32 s20;
	s18 =	sadd.s32 $0x600, s20  }
0x63: {  	[tilespmem:s16], [sflag:$0x1] =	stream.indirect.gather [hbm4b:s4+s9], $0x10, s19, s9, $0xb8;
	[tilespmem:$0x14C00] =	vst v63  }
0x64: {  	p0 =	sne.s32 s20, $0x2A00;
	s20 =	sadd.s32 $0x140, s16;
	s21 =	sadd.s32 $0x18, s19  }
0x65: {  	[tilespmem:s20], [sflag:$0x1] =	stream.indirect.gather [hbm4b:s4+s9], $0x10, s21, s9, $0xb8;
	[tilespmem:$0x14C00] =	vst v63  }
0x66: {  	s20 =	sadd.s32 $0x280, s16;
	s21 =	sadd.s32 $0x30, s19  }
0x67: {  	[tilespmem:s20], [sflag:$0x1] =	stream.indirect.gather [hbm4b:s4+s9], $0x10, s21, s9, $0xb8;
	[tilespmem:$0x14C00] =	vst v63  }
0x68: {  	s20 =	sadd.s32 $0x3C0, s16;
	s21 =	sadd.s32 $0x48, s19  }
0x69: {  	[tilespmem:s20], [sflag:$0x1] =	stream.indirect.gather [hbm4b:s4+s9], $0x10, s21, s9, $0xb8;
	[tilespmem:$0x14C00] =	vst v63  }
0x6a: {  	s20 =	sadd.s32 $0x500, s16;
	s21 =	sadd.s32 $0x60, s19  }
0x6b: {  	[tilespmem:s20], [sflag:$0x1] =	stream.indirect.gather [hbm4b:s4+s9], $0x10, s21, s9, $0xb8;
	[tilespmem:$0x14C00] =	vst v63  }
0x6c: {  	s20 =	sadd.s32 $0x640, s16;
	s21 =	sadd.s32 $0x78, s19  }
0x6d: {  	[tilespmem:s20], [sflag:$0x1] =	stream.indirect.gather [hbm4b:s4+s9], $0x10, s21, s9, $0xb8;
	[tilespmem:$0x14C00] =	vst v63  }
0x6e: {  	s20 =	sadd.s32 $0x780, s16;
	s21 =	sadd.s32 $0x90, s19  }
0x6f: {  	[tilespmem:s20], [sflag:$0x1] =	stream.indirect.gather [hbm4b:s4+s9], $0x10, s21, s9, $0xb8;
	[tilespmem:$0x14C00] =	vst v63  }
0x70: {  	s20 =	sadd.s32 $0x8C0, s16;
	s21 =	sadd.s32 $0xA8, s19  }
0x71: {  	[tilespmem:s20], [sflag:$0x1] =	stream.indirect.gather [hbm4b:s4+s9], $0x10, s21, s9, $0xb8;
	[tilespmem:$0x14C00] =	vst v63  }
0x72: {  	s20 =	sadd.s32 $0xA00, s16;
	s21 =	sadd.s32 $0xC0, s19  }
0x73: {  	[tilespmem:s20], [sflag:$0x1] =	stream.indirect.gather [hbm4b:s4+s9], $0x10, s21, s9, $0xb8;
	[tilespmem:$0x14C00] =	vst v63  }
0x74: {  	s20 =	sadd.s32 $0xB40, s16;
	s21 =	sadd.s32 $0xD8, s19  }
0x75: {  	[tilespmem:s20], [sflag:$0x1] =	stream.indirect.gather [hbm4b:s4+s9], $0x10, s21, s9, $0xb8;
	[tilespmem:$0x14C00] =	vst v63  }
0x76: {  	s20 =	sadd.s32 $0xC80, s16;
	s21 =	sadd.s32 $0xF0, s19  }
0x77: {  	[tilespmem:s20], [sflag:$0x1] =	stream.indirect.gather [hbm4b:s4+s9], $0x10, s21, s9, $0xb8;
	[tilespmem:$0x14C00] =	vst v63  }
0x78: {  	s20 =	sadd.s32 $0xDC0, s16;
	s21 =	sadd.s32 $0x108, s19  }
0x79: {  	[tilespmem:s20], [sflag:$0x1] =	stream.indirect.gather [hbm4b:s4+s9], $0x10, s21, s9, $0xb8;
	[tilespmem:$0x14C00] =	vst v63  }
0x7a: {  	s20 =	sadd.s32 $0xF00, s16;
	s21 =	sadd.s32 $0x120, s19  }
0x7b: {  	[tilespmem:s20], [sflag:$0x1] =	stream.indirect.gather [hbm4b:s4+s9], $0x10, s21, s9, $0xb8;
	[tilespmem:$0x14C00] =	vst v63  }
0x7c: {  	s20 =	sadd.s32 $0x1040, s16;
	s21 =	sadd.s32 $0x138, s19  }
0x7d: {  	[tilespmem:s20], [sflag:$0x1] =	stream.indirect.gather [hbm4b:s4+s9], $0x10, s21, s9, $0xb8;
	[tilespmem:$0x14C00] =	vst v63  }
0x7e: {  	s20 =	sadd.s32 $0x1180, s16;
	s21 =	sadd.s32 $0x150, s19  }
0x7f: {  	[tilespmem:s20], [sflag:$0x1] =	stream.indirect.gather [hbm4b:s4+s9], $0x10, s21, s9, $0xb8;
	[tilespmem:$0x14C00] =	vst v63  }
0x80: {  	s19 =	sadd.s32 $0x168, s19;
	s20 =	sadd.s32 $0x12C0, s16  }
0x81: {  	[tilespmem:s20], [sflag:$0x1] =	stream.indirect.gather [hbm4b:s4+s9], $0x10, s19, s9, $0xb8;
	[tilespmem:$0x14C00] =	vst v63  }
0x82: {  	_ =	swait.ge [sflag:s10], $0x140  }
0x83: {  	[sflag:s10] =	ssyncset.done $0x0  }
0x84: {  	[sflag:s10] =	ssyncadd.s32 $0xFFFFFEC0  }
0x85: {  	_ =	swait.ge [sflag:s10], $0x140  }
0x86: {  	[sflag:s10] =	ssyncset.done $0x0  }
0x87: {  	[sflag:s10] =	ssyncadd.s32 $0xFFFFFEC0  }
0x88: {  	_ =	swait.ge [sflag:s10], $0x140  }
0x89: {  	[sflag:s10] =	ssyncset.done $0x0  }
0x8a: {  	[sflag:s10] =	ssyncadd.s32 $0xFFFFFEC0  }
0x8b: {  	_ =	swait.ge [sflag:s10], $0x140  }
0x8c: {  	[sflag:s10] =	ssyncset.done $0x0  }
0x8d: {  	[sflag:s10] =	ssyncadd.s32 $0xFFFFFEC0  }
0x8e: {  	_ =	swait.ge [sflag:s10], $0x140  }
0x8f: {  	[sflag:s10] =	ssyncset.done $0x0  }
0x90: {  	[sflag:s10] =	ssyncadd.s32 $0xFFFFFEC0  }
0x91: {  	_ =	swait.ge [sflag:s10], $0x140  }
0x92: {  	[sflag:s10] =	ssyncset.done $0x0  }
0x93: {  	[sflag:s10] =	ssyncadd.s32 $0xFFFFFEC0  }
0x94: {  	_ =	swait.ge [sflag:s10], $0x140  }
0x95: {  	[sflag:s10] =	ssyncset.done $0x0  }
0x96: {  	[sflag:s10] =	ssyncadd.s32 $0xFFFFFEC0  }
0x97: {  	_ =	swait.ge [sflag:s10], $0x140  }
0x98: {  	[sflag:s10] =	ssyncset.done $0x0  }
0x99: {  	[sflag:s10] =	ssyncadd.s32 $0xFFFFFEC0  }
0x9a: {  	_ =	swait.ge [sflag:s10], $0x140  }
0x9b: {  	[sflag:s10] =	ssyncset.done $0x0  }
0x9c: {  	[sflag:s10] =	ssyncadd.s32 $0xFFFFFEC0  }
0x9d: {  	_ =	swait.ge [sflag:s10], $0x140  }
0x9e: {  	[sflag:s10] =	ssyncset.done $0x0  }
0x9f: {  	[sflag:s10] =	ssyncadd.s32 $0xFFFFFEC0  }
0xa0: {  	_ =	swait.ge [sflag:s10], $0x140  }
0xa1: {  	[sflag:s10] =	ssyncset.done $0x0  }
0xa2: {  	[sflag:s10] =	ssyncadd.s32 $0xFFFFFEC0  }
0xa3: {  	_ =	swait.ge [sflag:s10], $0x140  }
0xa4: {  	[sflag:s10] =	ssyncset.done $0x0  }
0xa5: {  	[sflag:s10] =	ssyncadd.s32 $0xFFFFFEC0  }
0xa6: {  	_ =	swait.ge [sflag:s10], $0x140  }
0xa7: {  	[sflag:s10] =	ssyncset.done $0x0  }
0xa8: {  	[sflag:s10] =	ssyncadd.s32 $0xFFFFFEC0  }
0xa9: {  	_ =	swait.ge [sflag:s10], $0x140  }
0xaa: {  	[sflag:s10] =	ssyncset.done $0x0  }
0xab: {  	[sflag:s10] =	ssyncadd.s32 $0xFFFFFEC0  }
.Ltmp0:
0xac: {  	_ =	swait.ge [sflag:s10], $0x140;
	(pc) =	sbr.rel @p0 .LBB2_3-.Ltmp0, $4  }
0xad: {  	[sflag:s10] =	ssyncset.done $0x0  }
0xae: {  	[sflag:s10] =	ssyncadd.s32 $0xFFFFFEC0  }
0xaf: {  	_ =	swait.ge [sflag:s10], $0x140  }
0xb0: {  	s16 =	sadd.s32 $0x1400, s16;
	s20 =	smov.u32 s18;
	[sflag:s10] =	ssyncset.done $0x0  }
0xb1: {  	s17 =	sshra.s32 s17, $0x2;
	[sflag:s10] =	ssyncadd.s32 $0xFFFFFEC0  }
0xb2: {  	[tilespmem:s16], [sflag:$0x1] =	stream.indirect.gather [hbm4b:s4+s9], $0x10, s17, s9, $0xb8;
	[tilespmem:$0x14C00] =	vst v63  }
0xb3: {  	s18 =	sadd.s32 $0x140, s16;
	s19 =	sadd.s32 $0x18, s17  }
0xb4: {  	[tilespmem:s18], [sflag:$0x1] =	stream.indirect.gather [hbm4b:s4+s9], $0x10, s19, s9, $0xb8;
	[tilespmem:$0x14C00] =	vst v63  }
0xb5: {  	s23 =	sadd.s32 $0x280, s16;
	s24 =	sadd.s32 $0x30, s17  }
0xb6: {  	[tilespmem:s23], [sflag:$0x1] =	stream.indirect.gather [hbm4b:s4+s9], $0x10, s24, s9, $0xb8;
	[tilespmem:$0x14C00] =	vst v63  }
0xb7: {  	s25 =	sadd.s32 $0x3C0, s16;
	s26 =	sadd.s32 $0x48, s17  }
0xb8: {  	[tilespmem:s25], [sflag:$0x1] =	stream.indirect.gather [hbm4b:s4+s9], $0x10, s26, s9, $0xb8;
	[tilespmem:$0x14C00] =	vst v63  }
0xb9: {  	s28 =	sadd.s32 $0x500, s16;
	s29 =	sadd.s32 $0x60, s17  }
0xba: {  	[tilespmem:s28], [sflag:$0x1] =	stream.indirect.gather [hbm4b:s4+s9], $0x10, s29, s9, $0xb8;
	[tilespmem:$0x14C00] =	vst v63  }
0xbb: {  	s30 =	sadd.s32 $0x640, s16;
	s31 =	sadd.s32 $0x78, s17  }
0xbc: {  	[tilespmem:s30], [sflag:$0x1] =	stream.indirect.gather [hbm4b:s4+s9], $0x10, s31, s9, $0xb8;
	[tilespmem:$0x14C00] =	vst v63  }
0xbd: {  	s20 =	sadd.s32 $0x90, s17;
	s19 =	sadd.s32 $0x780, s16  }
0xbe: {  	[tilespmem:s19], [sflag:$0x1] =	stream.indirect.gather [hbm4b:s4+s9], $0x10, s20, s9, $0xb8;
	[tilespmem:$0x14C00] =	vst v63  }
0xbf: {  	s21 =	sadd.s32 $0x8C0, s16;
	s22 =	sadd.s32 $0xA8, s17  }
0xc0: {  	[tilespmem:s21], [sflag:$0x1] =	stream.indirect.gather [hbm4b:s4+s9], $0x10, s22, s9, $0xb8;
	[tilespmem:$0x14C00] =	vst v63  }
0xc1: {  	s23 =	sadd.s32 $0xA00, s16;
	s24 =	sadd.s32 $0xC0, s17  }
0xc2: {  	[tilespmem:s23], [sflag:$0x1] =	stream.indirect.gather [hbm4b:s4+s9], $0x10, s24, s9, $0xb8;
	[tilespmem:$0x14C00] =	vst v63  }
0xc3: {  	s25 =	sadd.s32 $0xB40, s16;
	s26 =	sadd.s32 $0xD8, s17  }
0xc4: {  	[tilespmem:s25], [sflag:$0x1] =	stream.indirect.gather [hbm4b:s4+s9], $0x10, s26, s9, $0xb8;
	[tilespmem:$0x14C00] =	vst v63  }
0xc5: {  	s28 =	sadd.s32 $0xC80, s16;
	s29 =	sadd.s32 $0xF0, s17  }
0xc6: {  	[tilespmem:s28], [sflag:$0x1] =	stream.indirect.gather [hbm4b:s4+s9], $0x10, s29, s9, $0xb8;
	[tilespmem:$0x14C00] =	vst v63  }
0xc7: {  	s30 =	sadd.s32 $0xDC0, s16;
	s31 =	sadd.s32 $0x108, s17  }
0xc8: {  	[tilespmem:s30], [sflag:$0x1] =	stream.indirect.gather [hbm4b:s4+s9], $0x10, s31, s9, $0xb8;
	[tilespmem:$0x14C00] =	vst v63  }
0xc9: {  	s19 =	sadd.s32 $0xF00, s16;
	s20 =	sadd.s32 $0x120, s17  }
0xca: {  	[tilespmem:s19], [sflag:$0x1] =	stream.indirect.gather [hbm4b:s4+s9], $0x10, s20, s9, $0xb8;
	[tilespmem:$0x14C00] =	vst v63  }
0xcb: {  	s21 =	sadd.s32 $0x1040, s16;
	s22 =	sadd.s32 $0x138, s17  }
0xcc: {  	[tilespmem:s21], [sflag:$0x1] =	stream.indirect.gather [hbm4b:s4+s9], $0x10, s22, s9, $0xb8;
	[tilespmem:$0x14C00] =	vst v63  }
0xcd: {  	s23 =	sadd.s32 $0x1180, s16;
	s24 =	sadd.s32 $0x150, s17  }
0xce: {  	[tilespmem:s23], [sflag:$0x1] =	stream.indirect.gather [hbm4b:s4+s9], $0x10, s24, s9, $0xb8;
	[tilespmem:$0x14C00] =	vst v63  }
0xcf: {  	s17 =	sadd.s32 $0x168, s17;
	s25 =	sadd.s32 $0x12C0, s16  }
0xd0: {  	[tilespmem:s25], [sflag:$0x1] =	stream.indirect.gather [hbm4b:s4+s9], $0x10, s17, s9, $0xb8;
	[tilespmem:$0x14C00] =	vst v63  }
0xd1: {  	_ =	swait.ge [sflag:s10], $0x140  }
0xd2: {  	[sflag:s10] =	ssyncset.done $0x0  }
0xd3: {  	[sflag:s10] =	ssyncadd.s32 $0xFFFFFEC0  }
0xd4: {  	_ =	swait.ge [sflag:s10], $0x140  }
0xd5: {  	[sflag:s10] =	ssyncset.done $0x0  }
0xd6: {  	[sflag:s10] =	ssyncadd.s32 $0xFFFFFEC0  }
0xd7: {  	_ =	swait.ge [sflag:s10], $0x140  }
0xd8: {  	[sflag:s10] =	ssyncset.done $0x0  }
0xd9: {  	[sflag:s10] =	ssyncadd.s32 $0xFFFFFEC0  }
0xda: {  	_ =	swait.ge [sflag:s10], $0x140  }
0xdb: {  	[sflag:s10] =	ssyncset.done $0x0  }
0xdc: {  	[sflag:s10] =	ssyncadd.s32 $0xFFFFFEC0  }
0xdd: {  	_ =	swait.ge [sflag:s10], $0x140  }
0xde: {  	[sflag:s10] =	ssyncset.done $0x0  }
0xdf: {  	[sflag:s10] =	ssyncadd.s32 $0xFFFFFEC0  }
0xe0: {  	_ =	swait.ge [sflag:s10], $0x140  }
0xe1: {  	[sflag:s10] =	ssyncset.done $0x0  }
0xe2: {  	[sflag:s10] =	ssyncadd.s32 $0xFFFFFEC0  }
0xe3: {  	_ =	swait.ge [sflag:s10], $0x140  }
0xe4: {  	[sflag:s10] =	ssyncset.done $0x0  }
0xe5: {  	[sflag:s10] =	ssyncadd.s32 $0xFFFFFEC0  }
0xe6: {  	_ =	swait.ge [sflag:s10], $0x140  }
0xe7: {  	[sflag:s10] =	ssyncset.done $0x0  }
0xe8: {  	[sflag:s10] =	ssyncadd.s32 $0xFFFFFEC0  }
0xe9: {  	_ =	swait.ge [sflag:s10], $0x140  }
0xea: {  	[sflag:s10] =	ssyncset.done $0x0  }
0xeb: {  	[sflag:s10] =	ssyncadd.s32 $0xFFFFFEC0  }
0xec: {  	_ =	swait.ge [sflag:s10], $0x140  }
0xed: {  	[sflag:s10] =	ssyncset.done $0x0  }
0xee: {  	[sflag:s10] =	ssyncadd.s32 $0xFFFFFEC0  }
0xef: {  	_ =	swait.ge [sflag:s10], $0x140  }
0xf0: {  	[sflag:s10] =	ssyncset.done $0x0  }
0xf1: {  	[sflag:s10] =	ssyncadd.s32 $0xFFFFFEC0  }
0xf2: {  	_ =	swait.ge [sflag:s10], $0x140  }
0xf3: {  	[sflag:s10] =	ssyncset.done $0x0  }
0xf4: {  	[sflag:s10] =	ssyncadd.s32 $0xFFFFFEC0  }
0xf5: {  	_ =	swait.ge [sflag:s10], $0x140  }
0xf6: {  	s26 =	simm.s32 $0x0;
	[sflag:s10] =	ssyncset.done $0x0  }
0xf7: {  	s28 =	sand.u32 $0xFFFC, s26;
	s29 =	smul.u32 $0xCCCD, s15;
	[sflag:s10] =	ssyncadd.s32 $0xFFFFFEC0  }
0xf8: {  	s17 =	smul.u32 $0xCCCD, s28;
	_ =	swait.ge [sflag:s10], $0x140  }
0xf9: {  	s18 =	sshrl.u32 s29, $0x12;
	[sflag:s10] =	ssyncset.done $0x0  }
0xfa: {  	s18 =	smul.u32 $0x500, s18;
	s17 =	sshrl.u32 s17, $0x14;
	[sflag:s10] =	ssyncadd.s32 $0xFFFFFEC0  }
0xfb: {  	s30 =	sor.u32 $0x1, s26;
	s17 =	smul.u32 $0x14, s17;
	_ =	swait.ge [sflag:s10], $0x140  }
0xfc: {  	s20 =	sand.u32 $0xFFFD, s30;
	[sflag:s10] =	ssyncset.done $0x0  }
0xfd: {  	s18 =	sshrl.u32 s18, $0x2;
	s17 =	ssub.s32 $0x0, s17;
	[sflag:s10] =	ssyncadd.s32 $0xFFFFFEC0  }
0xfe: {  	s20 =	smul.u32 $0xCCCD, s20;
	s21 =	sand.u32 $0xFFFC, s17;
	_ =	swait.ge [sflag:s10], $0x140  }
0xff: {  	s17 =	sadd.s32 $0xC00, s18;
	s21 =	sshll.u32 s21, $0x4;
	[sflag:s10] =	ssyncset.done $0x0  }
0x100: {  	s20 =	sshrl.u32 s20, $0x14;
	s22 =	sadd.s32 s21, s17;
	[sflag:s10] =	ssyncadd.s32 $0xFFFFFEC0  }
0x101: {  	s20 =	smul.u32 $0x14, s20;
	v0 =	vld [tilespmem:s22+$0x0]  }
0x102: {  	s31 =	sor.u32 $0x2, s26  }
0x103: {  	s23 =	sand.u32 $0xFFFE, s31;
	s19 =	ssub.s32 s30, s20  }
0x104: {  	s16 =	sadd.s32 $0xAC00, s18;
	s25 =	smul.u32 $0xCCCD, s23;
	s24 =	sand.u32 $0xFFFD, s19  }
0x105: {  	s18 =	sshll.u32 s24, $0x4;
	s26 =	sadd.s32 s21, s16  }
0x106: {  	s19 =	sshrl.u32 s25, $0x14;
	s28 =	sadd.s32 s18, s17;
	[tilespmem:s26+$0x0] =	vst v0  }
0x107: {  	s19 =	smul.u32 $0x14, s19;
	v0 =	vld [tilespmem:s28+$0x0]  }
0x108: {  	s20 =	sshllo.u32 s15, $0x2  }
0x109: {  	s30 =	sand.u32 $0xFFFF, s20;
	s29 =	ssub.s32 s31, s19  }
0x10a: {  	s19 =	smul.u32 $0xCCCD, s30;
	s15 =	sand.u32 $0xFFFE, s29  }
0x10b: {  	s18 =	sadd.s32 s18, s16;
	s21 =	sshll.u32 s15, $0x4  }
0x10c: {  	s19 =	sshrl.u32 s19, $0x14;
	s15 =	simm.s32 $0x1;
	s31 =	sadd.s32 s21, s17;
	[tilespmem:s18+$0x0] =	vst v0  }
0x10d: {  	s22 =	smul.u32 $0x14, s19;
	s19 =	simm.s32 $0x4;
	s18 =	simm.s32 $0x2;
	v0 =	vld [tilespmem:s31+$0x0]  }
.LBB2_5:
0x10e: {  	s23 =	sand.u32 $0xFFFC, s19  }
0x10f: {  	p0 =	sne.s32 s18, $0x27F;
	s20 =	ssub.s32 s20, s22;
	s22 =	smul.u32 $0xCCCD, s23  }
0x110: {  	s20 =	sand.u32 $0xFFFF, s20;
	s23 =	smul.u32 $0xCCCD, s15  }
0x111: {  	s21 =	sadd.s32 s21, s16;
	s20 =	sshll.u32 s20, $0x4;
	s22 =	sshrl.u32 s22, $0x14  }
0x112: {  	[tilespmem:s21+$0x0] =	vst v0;
	s17 =	sadd.s32 s20, s17;
	s21 =	sshrl.u32 s23, $0x12;
	s22 =	smul.u32 $0x14, s22  }
0x113: {  	v0 =	vld [tilespmem:s17+$0x0];
	s17 =	smul.u32 $0x500, s21;
	s21 =	sor.u32 $0x1, s19  }
0x114: {  	s23 =	sand.u32 $0xFFFD, s21  }
0x115: {  	s22 =	ssub.s32 s19, s22;
	s23 =	smul.u32 $0xCCCD, s23  }
0x116: {  	s16 =	sadd.s32 s20, s16;
	s24 =	sshrl.u32 s17, $0x2;
	s22 =	sand.u32 $0xFFFC, s22  }
0x117: {  	s17 =	sadd.s32 $0xC00, s24;
	s22 =	sshll.u32 s22, $0x4;
	s23 =	sshrl.u32 s23, $0x14  }
0x118: {  	s20 =	sadd.s32 s22, s17;
	[tilespmem:s16+$0x0] =	vst v0;
	s16 =	smul.u32 $0x14, s23  }
0x119: {  	s19 =	sor.u32 $0x2, s19;
	v0 =	vld [tilespmem:s20+$0x0]  }
0x11a: {  	s20 =	ssub.s32 s21, s16;
	s21 =	sand.u32 $0xFFFE, s19  }
0x11b: {  	s21 =	smul.u32 $0xCCCD, s21  }
0x11c: {  	s16 =	sadd.s32 $0xAC00, s24;
	s20 =	sand.u32 $0xFFFD, s20  }
0x11d: {  	s22 =	sadd.s32 s22, s16;
	s23 =	sshll.u32 s20, $0x4;
	s21 =	sshrl.u32 s21, $0x14  }
0x11e: {  	s20 =	sadd.s32 s23, s17;
	[tilespmem:s22+$0x0] =	vst v0;
	s21 =	smul.u32 $0x14, s21  }
0x11f: {  	v0 =	vld [tilespmem:s20+$0x0];
	s20 =	sshllo.u32 s15, $0x2  }
0x120: {  	s15 =	smov.u32 s18;
	s19 =	ssub.s32 s19, s21;
	s21 =	sand.u32 $0xFFFF, s20  }
0x121: {  	s22 =	smul.u32 $0xCCCD, s21  }
.Ltmp1:
0x122: {  	s19 =	sand.u32 $0xFFFE, s19;
	(pc) =	sbr.rel @p0 .LBB2_5-.Ltmp1, $4  }
0x123: {  	s23 =	sadd.s32 s23, s16;
	s21 =	sshll.u32 s19, $0x4  }
0x124: {  	s19 =	sadd.s32 s21, s17;
	s22 =	sshrl.u32 s22, $0x14;
	[tilespmem:s23+$0x0] =	vst v0  }
0x125: {  	s22 =	smul.u32 $0x14, s22;
	v0 =	vld [tilespmem:s19+$0x0]  }
0x126: {  	s18 =	sadd.s32 $0x1, s18;
	s19 =	sshll.u32 s15, $0x2  }
0x127: {  	s18 =	sand.u32 $0xFFFC, s19;
	s20 =	ssub.s32 s20, s22  }
0x128: {  	s18 =	smul.u32 $0xCCCD, s18;
	s20 =	sand.u32 $0xFFFF, s20  }
0x129: {  	s31 =	smul.u32 $0xCCCD, s15;
	s21 =	sadd.s32 s21, s16;
	s20 =	sshll.u32 s20, $0x4  }
0x12a: {  	s18 =	sshrl.u32 s18, $0x14;
	[tilespmem:s21+$0x0] =	vst v0;
	s17 =	sadd.s32 s20, s17  }
0x12b: {  	s23 =	sshrl.u32 s31, $0x12;
	s18 =	smul.u32 $0x14, s18;
	v0 =	vld [tilespmem:s17+$0x0]  }
0x12c: {  	s25 =	sor.u32 $0x1, s19;
	s24 =	smul.u32 $0x500, s23  }
0x12d: {  	s26 =	sand.u32 $0xFFFD, s25;
	s18 =	ssub.s32 s19, s18  }
0x12e: {  	s22 =	smul.u32 $0xCCCD, s26;
	s17 =	sshrl.u32 s24, $0x2;
	s18 =	sand.u32 $0xFFFC, s18  }
0x12f: {  	s28 =	sadd.s32 s20, s16;
	s23 =	sadd.s32 $0xC00, s17;
	s18 =	sshll.u32 s18, $0x4  }
0x130: {  	s22 =	sshrl.u32 s22, $0x14;
	s29 =	sadd.s32 s18, s23;
	[tilespmem:s28+$0x0] =	vst v0  }
0x131: {  	s30 =	smul.u32 $0x14, s22;
	v0 =	vld [tilespmem:s29+$0x0]  }
0x132: {  	s31 =	sor.u32 $0x2, s19  }
0x133: {  	s21 =	sand.u32 $0xFFFE, s31;
	s16 =	ssub.s32 s25, s30  }
0x134: {  	s20 =	smul.u32 $0xCCCD, s21;
	s17 =	sadd.s32 $0xAC00, s17;
	s16 =	sand.u32 $0xFFFD, s16  }
0x135: {  	s18 =	sadd.s32 s18, s17;
	s16 =	sshll.u32 s16, $0x4  }
0x136: {  	s20 =	sshrl.u32 s20, $0x14;
	s22 =	sadd.s32 s16, s23;
	[tilespmem:s18+$0x0] =	vst v0  }
0x137: {  	s24 =	smul.u32 $0x14, s20;
	v0 =	vld [tilespmem:s22+$0x0]  }
0x138: {  	s25 =	sshllo.u32 s15, $0x2  }
0x139: {  	s26 =	sand.u32 $0xFFFF, s25;
	s18 =	ssub.s32 s31, s24  }
0x13a: {  	s19 =	smul.u32 $0xCCCD, s26;
	s18 =	sand.u32 $0xFFFE, s18  }
0x13b: {  	s16 =	sadd.s32 s16, s17;
	s18 =	sshll.u32 s18, $0x4  }
0x13c: {  	s19 =	sshrl.u32 s19, $0x14;
	s28 =	sadd.s32 s18, s23;
	[tilespmem:s16+$0x0] =	vst v0  }
0x13d: {  	s29 =	smul.u32 $0x14, s19;
	v0 =	vld [tilespmem:s28+$0x0];
	_ =	sdelay $0x1  }
0x13e: {  	s15 =	ssub.s32 s25, s29  }
0x13f: {  	s15 =	sand.u32 $0xFFFF, s15  }
0x140: {  	s15 =	sshll.u32 s15, $0x4;
	s30 =	sadd.s32 s18, s17  }
0x141: {  	s31 =	sadd.s32 s15, s23;
	[tilespmem:s30+$0x0] =	vst v0  }
0x142: {  	v0 =	vld [tilespmem:s31+$0x0];
	_ =	sdelay $0x2  }
0x143: {  	s14 =	smul.u32 $0x28, s14;
	s13 =	sadd.s32 $0x1, s13  }
0x144: {  	p0 =	sne.s32 s13, $0x4;
	s15 =	sadd.s32 s15, s17  }
.Ltmp2:
0x145: {  	s14 =	sadd.s32 s5, s14;
	[tilespmem:s15+$0x0] =	vst v0;
	(pc) =	sbr.rel @p0 .LBB2_2-.Ltmp2, $4  }
0x146: {  	[hbm4b:s14+s2] =	stream.linear.scatter [tilespmem:s11], [sflag:$0x2], $0xA000, $0x38;
	[tilespmem:$0x14C00] =	vst v63  }
0x147: {  	_ =	swait.ge [sflag:s8], $0xA000  }
0x148: {  	[sflag:s8] =	ssyncset.done $0x0  }
0x149: {  	[sflag:s8] =	ssyncadd.s32 $0xFFFF6000  }
0x14a: {  	s12 =	sadd.s32 $0x1, s12  }
0x14b: {  	p0 =	sne.s32 s12, s7  }
.Ltmp3:
0x14c: {  	_ = 	snop;
	(pc) =	sbr.rel @p0 .LBB2_1-.Ltmp3, $1  }
0x14d: {  	_ =	sdelay $0x3  }
0x14e: {  	_ =	sfence.sel $0x180000  }
0x14f: {  	[bflag:$0x0] =	sbarrier.arrive $0xFFFF  }
0x150: {  	p0 =	sne.s32 s3, $0x0;
	_ =	strace $0x9000004D  }
0x151: {  	s0 =	sadd.s32 @!p0 $0x100000, s0;
	[bflag:$0x2] =	sbarrier.arrive $0xFFFF  }
0x152: {  	[sflag:s0] =	ssyncadd.tile.s32 @!p0 $0x1;
	_ =	shalt  }
.Lfunc_end2:
_tile_overlayer_lowered:
.L_overlay_start_2:
0x153: {  	(tag) =	ssettag $0x2  }
0x154: {  	s0 =	rddreg [dreg:$0x0];
	s2 =	stileid.u32  }
0x155: {  	s1 =	rddreg [dreg:$0x1];
	p0 =	sne.s32 s2, $0x0  }
0x156: {  	s3 =	rddreg [dreg:$0x2];
	[bflag:$0x3] =	sbarrier.arrive $0xFFFF;
	s2 =	simm.s32 @!p0 $0x1C02  }
0x157: {  	[timem:s3], [sflag:s2] =	dma.local @!p0 [hbm:s0], s1  }
0x158: {  	s0 =	simm.s32 @!p0 $0x2  }
0x159: {  	_ =	swait.ge @!p0 [sflag:s0], s1  }
0x15a: {  	s1 =	ssub.s32 @!p0 $0x0, s1;
	[sflag:s0] =	ssyncset.done @!p0 $0x0  }
0x15b: {  	[sflag:s0] =	ssyncadd.s32 @!p0 s1  }
0x15c: {  	[bflag:$0x3] =	sbarrier.arrive $0xFFFF  }
0x15d: {  	_ =	shalt  }

// kernel: sparse-core-data-format-call.cloned.1.call-start
scs
called_computation_lowered:
.L_overlay_start_0:
0x0: {  	s1 =	sld [smem:$0x3FD9]  }
0x1: {  	s2 =	sld [smem:$0x3FFE];
	_ =	sdelay $0x1  }
0x2: {  	s3 =	srdreg.scid  }
0x3: {  	s0 =	sand.u32 $0x1, s3  }
0x4: {  	s17 =	sshll.u32 s0, $0xA;
	s1 =	sadd.s32 s2, s1  }
0x5: {  	s1 =	sadd.s32 s1, s17  }
0x6: {  	[smem:$0x3FC6] =	sst s1  }
0x7: {  	_ = 	snop  }
0x8: {  	(tm) =	ssettm $0x1  }
0x9: {  	s18 =	sld [smem:$0x3FFB];
	_ =	sdelay $0x3  }
0xa: {  	_ =	strace s18  }
0xb: {  	s1 =	sld [smem:$0x3FFC];
	_ =	sdelay $0x3  }
0xc: {  	_ =	strace s1  }
0xd: {  	s1 =	sld [smem:$0x3FFD];
	_ =	sdelay $0x3  }
0xe: {  	_ =	strace s1  }
0xf: {  	_ =	strace $0x8FFFFFFF  }
0x10: {  	s19 =	sld [smem:$0x3FDB];
	_ =	sdelay $0x1  }
0x11: {  	s20 =	simm.s32 $_scs_section_size  }
0x12: {  	s4 =	simm.s32 $_size__tile_overlayer_lowered;
	s5 =	simm.s32 $_tile_overlayer_lowered  }
0x13: {  	s23 =	simm.s32 $0x1BFF;
	s22 =	sshll.u32 s5, $0x1;
	s1 =	sadd.s32 s20, s19  }
0x14: {  	s6 =	simm.s32 $0x0;
	s21 =	sshll.u32 s4, $0x1;
	s4 =	sadd.s32 s22, s1  }
0x15: {  	[timem:s6], [sflag:s23] =	dma.local [hbm:s4], s21  }
0x16: {  	_ =	swait.ge [sflag:s23], s21  }
0x17: {  	s2 =	ssub.s32 $0x0, s21;
	[sflag:s23] =	ssyncset.done $0x0  }
0x18: {  	[sflag:s23] =	ssyncadd.s32 s2;
	_ =	sdelay $0x1  }
0x19: {  	s24 =	simm.s32 $0x1B8B  }
0x1a: {  	_ =	swait.ge [sflag:s24], $0x1  }
0x1b: {  	[sflag:s24] =	ssyncset.done $0x0  }
0x1c: {  	s26 =	simm.s32 $0x1B8E;
	s25 =	sld [smem:$0x3FFE];
	[sflag:s24] =	ssyncadd.s32 $0xFFFFFFFF  }
0x1d: {  	s27 =	simm.s32 $execute0_lowered;
	[smem:$0x3FD2] =	sst s26  }
0x1e: {  	s4 =	sshll.u32 s27, $0x1;
	_ =	strace $0x80000046;
	[dreg:$0x1] =	wrdreg $0xFFFFFFFF  }
0x1f: {  	s28 =	simm.s32 $_size_execute0_lowered;
	s1 =	sadd.s32 s1, s4;
	[dreg:$0x0] =	wrdreg $0x0  }
0x20: {  	s4 =	sshll.u32 s28, $0x1;
	[dreg:$0x2] =	wrdreg s1  }
0x21: {  	[dreg:$0x3] =	wrdreg s4  }
0x22: {  	[dreg:$0x4] =	wrdreg $0xC0  }
0x23: {  	_ =	task [dreg:s6], $0x5FFFF  }
0x24: {  	[dreg:$0x1] =	wrdreg $0xFFFFFFFF  }
0x25: {  	[dreg:$0x0] =	wrdreg $0x60  }
0x26: {  	[dreg:$0x2] =	wrdreg s25  }
0x27: {  	[dreg:$0x3] =	wrdreg $0x9  }
0x28: {  	_ =	task.clear_ibuf [dreg:s6], $0x4FFFF;
	_ =	strace $0x90000046  }
0x29: {  	s29 =	simm.s32 $0x9;
	_ =	strace $0x80000048  }
0x2a: {  	_ =	swait.ge [sflag:s29], $0x1  }
0x2b: {  	[sflag:s29] =	ssyncadd.s32 $0xFFFFFFFF  }
0x2c: {  	_ =	strace $0x90000048  }
0x2d: {  	_ =	sfence  }
0x2e: {  	s30 =	sld [smem:$0x0];
	_ =	sdelay $0x2  }
0x2f: {  	s31 =	sshll.u32 s3, $0xD;
	s3 =	sshrl.u32 s3, $0x2  }
0x30: {  	s2 =	sand.u32 $0x4000, s31;
	s1 =	sadd.s32 s3, s30  }
0x31: {  	s0 =	sor.u32 s2, s0;
	s1 =	sshll.u32 s1, $0x11  }
0x32: {  	s0 =	sor.u32 s1, s0  }
0x33: {  	s0 =	sadd.s32 $0x8F2B, s0  }
0x34: {  	[sflag:s0] =	ssyncadd.remote.s32 $0x1  }
0x35: {  	_ =	sfence.sel $0xFFFF  }
0x36: {  	[dreg:$0x0] =	wrdreg $0xFFFFFFFF;
	(pc) =	sbr.abs _section_cstart, $3  }
0x37: {  	[dreg:$0x1] =	wrdreg $0xFFFFFFFF  }
0x38: {  	_ =	task.clear_ibuf [dreg:s6], $0x2FFFF;
	_ =	strace $0x9FFFFFFF  }
0x39: {  	(tm) =	ssettm $0x7FFFFFFF  }
tec
execute0_lowered:
.L_overlay_start_1:
0x0: {  	(tag) =	ssettag $0x1  }
0x1: {  	s0 =	srdreg.scid  }
0x2: {  	s5 =	rddreg [dreg:$0x0];
	s1 =	stileid.u32;
	s4 =	simm.s32 $0x1  }
0x3: {  	s6 =	simm.s32 $0x2;
	s8 =	simm.s32 $0x0;
	s2 =	sshll.u32 s0, $0x4  }
0x4: {  	s9 =	simm.s32 $0x0;
	s13 =	simm.s32 $0x0;
	s2 =	sand.u32 $0x10, s2  }
.Ltmp0:
0x5: {  	s10 =	simm.s32 $0x0;
	s3 =	sor.u32 s1, s2;
	(pc) =	sbr.rel .LBB1_1-.Ltmp0, $4  }
0x6: {  	s0 =	rddreg [dreg:$0x1];
	_ =	strace $0x80000047;
	s3 =	sshll.u32 s3, $0x4  }
0x7: {  	s12 =	simm.s32 $0x0;
	[sflag:s4] =	ssyncpa.u1 $0x0;
	s7 =	ssub.s32 $0x3D00, s3  }
0x8: {  	s2 =	sadd.s32 $0xE00, s5;
	[sflag:s6] =	ssyncpa.u1 $0x0;
	s6 =	sshrl.u32 s7, $0x9  }
0x9: {  	s5 =	sadd.s32 $0x1E9400, s5;
	s11 =	smov.u32 s3;
	s7 =	sadd.s32 $0x2, s6  }
.LBB1_7:
0xa: {  	s15 =	sshll.u32 s12, $0xF  }
0xb: {  	s15 =	sand.u32 $0x8000, s15  }
0xc: {  	s16 =	sshll.u32 s10, $0x7;
	s15 =	sshrl.u32 s15, $0x1  }
0xd: {  	s16 =	sadd.s32 s5, s16;
	s15 =	sor.u32 $0x8000, s15  }
0xe: {  	[hbm4b:s16+s8] =	stream.linear.scatter [tilespmem:s15], [sflag:$0x2], s14, $0x38;
	[tilespmem:$0x10000] =	vst v63  }
.LBB1_8:
0xf: {  	p0 =	slt.u32 s12, $0x2  }
0x10: {  	p1 =	sgt.s32 @!p0 s13, $0x3CF9  }
0x11: {  	s14 =	smov.u32 s13;
	s15 =	sshra.s32 @!p0 s13, $0x1F;
	p1 =	por !p1, p0  }
0x12: {  	s13 =	sand.u32 @!p0 s15, s13;
	s14 =	simm.s32 @p1 $0x3CF9  }
0x13: {  	s13 =	ssub.s32 @!p0 s14, s13  }
0x14: {  	s13 =	sadd.s32 @!p0 $0xFFFFC307, s13  }
0x15: {  	s14 =	sshll.u32 @!p0 s13, $0xC  }
0x16: {  	p1 =	sgt.s32 @!p0 s13, $0xF;
	s13 =	ssub.s32 @!p0 $0x10000, s14  }
0x17: {  	s15 =	sadd.s32 $0x200, s11;
	p1 =	por !p1, p0;
	s13 =	sshrl.u32 @!p0 s13, $0x2  }
0x18: {  	s13 =	simm.s32 @!p1 $0x0;
	p1 =	sgt.s32 s15, $0x3D08  }
0x19: {  	s15 =	smov.u32 @p1 s3;
	p1 =	sne.s32 s12, s7  }
.Ltmp1:
0x1a: {  	_ = 	snop;
	(pc) =	sbr.rel @!p1 .LBB1_9-.Ltmp1, $4  }
0x1b: {  	s14 =	simm.s32 @!p0 $0x2  }
0x1c: {  	s9 =	sadd.s32 $0x8000, s9;
	_ =	swait.ge @!p0 [sflag:s14], s13;
	s16 =	ssub.s32 @!p0 $0x0, s13  }
0x1d: {  	s13 =	smov.u32 s10;
	s12 =	sadd.s32 $0x1, s12;
	[sflag:s14] =	ssyncset.done @!p0 $0x0  }
0x1e: {  	s10 =	smov.u32 s11;
	s11 =	smov.u32 s15;
	[sflag:s14] =	ssyncadd.s32 @!p0 s16  }
.LBB1_1:
0x1f: {  	p0 =	sgt.u32 s12, s6  }
0x20: {  	p1 =	sgt.s32 @!p0 s11, $0x3CF9  }
0x21: {  	s14 =	smov.u32 s11;
	s15 =	sshra.s32 @!p0 s11, $0x1F;
	p1 =	por !p1, p0  }
0x22: {  	s15 =	sand.u32 @!p0 s15, s11;
	s14 =	simm.s32 @p1 $0x3CF9  }
0x23: {  	s14 =	ssub.s32 @!p0 s14, s15  }
0x24: {  	s14 =	sadd.s32 @!p0 $0xFFFFC307, s14  }
0x25: {  	s16 =	sshll.u32 @!p0 s11, $0x7;
	s17 =	simm.s32 @!p0 $0x0;
	s15 =	sshll.u32 @!p0 s14, $0xC  }
0x26: {  	p1 =	sgt.s32 @!p0 s14, $0xF;
	s14 =	ssub.s32 @!p0 $0x10000, s15;
	s15 =	sxor.u32 @!p0 $0xFFFFFFFF, s12  }
0x27: {  	p1 =	por !p1, p0;
	s14 =	sshrl.u32 @!p0 s14, $0x2;
	s15 =	sshll.u32 @!p0 s15, $0xE  }
0x28: {  	s16 =	sadd.s32 @!p0 s2, s16;
	s14 =	simm.s32 @!p1 $0x0;
	s15 =	sand.u32 @!p0 $0x4000, s15  }
0x29: {  	[tilespmem:s15], [sflag:$0x1] =	stream.linear.gather @!p0 [hbm4b:s16+s17], s14, $0x38;
	[tilespmem:$0x10000] =	vst v63  }
0x2a: {  	p0 =	seq.s32 s12, $0x0  }
0x2b: {  	p1 =	sge.u32 @!p0 s12, s7  }
0x2c: {  	p0 =	por p0, p1  }
.Ltmp2:
0x2d: {  	_ = 	snop;
	(pc) =	sbr.rel @p0 .LBB1_8-.Ltmp2, $1  }
0x2e: {  	_ =	sdelay $0x3  }
0x2f: {  	p0 =	sgt.s32 s10, $0x3CF9;
	s14 =	smov.u32 s10;
	s15 =	sshra.s32 s10, $0x1F  }
0x30: {  	s14 =	simm.s32 @!p0 $0x3CF9;
	s15 =	sand.u32 s15, s10  }
0x31: {  	s14 =	ssub.s32 s14, s15  }
0x32: {  	s16 =	sadd.s32 $0x10, s10;
	s14 =	sadd.s32 $0xFFFFC307, s14  }
0x33: {  	p1 =	slt.s32 s16, $0x3D09;
	s30 =	sshll.u32 s14, $0xC  }
0x34: {  	s16 =	simm.s32 @!p1 $0x3D09;
	s15 =	ssub.s32 $0x10000, s30  }
0x35: {  	p0 =	sgt.s32 s14, $0xF;
	s14 =	sshrl.u32 s15, $0x2;
	s15 =	ssub.s32 s16, s10  }
0x36: {  	s14 =	simm.s32 @p0 $0x0;
	p0 =	slt.s32 s15, $0x1  }
.Ltmp3:
0x37: {  	_ = 	snop;
	(pc) =	sbr.rel @p0 .LBB1_7-.Ltmp3, $4  }
0x38: {  	_ = 	snop  }
0x39: {  	_ =	swait.ge [sflag:s4], s14  }
0x3a: {  	s31 =	ssub.s32 $0x0, s14;
	[sflag:s4] =	ssyncset.done $0x0  }
0x3b: {  	[sflag:s4] =	ssyncadd.s32 s31  }
0x3c: {  	s16 =	sshrl.u32 s9, $0x1  }
0x3d: {  	s17 =	sand.u32 $0x4000, s16  }
0x3e: {  	s18 =	simm.s32 $0x0;
	s16 =	sor.u32 $0x200, s17;
	s17 =	sor.u32 $0x8080, s17  }
.LBB1_4:
0x3f: {  	v0 =	vld [tilespmem:s16+$0xFFFFFE70]  }
0x40: {  	v1 =	vld [tilespmem:s16+$0x70]  }
0x41: {  	v2 =	vld [tilespmem:s16+$0x0]  }
0x42: {  	v3 =	vld [tilespmem:s16+$0xFFFFFE10]  }
0x43: {  	v4 =	vld [tilespmem:s16+$0x10]  }
0x44: {  	v5 =	vld [tilespmem:s16+$0xFFFFFE20]  }
0x45: {  	v7 =	vld [tilespmem:s16+$0x20]  }
0x46: {  	v11 =	vld [tilespmem:s16+$0x30];
	v6 =	vunpack.i.l.s16.s32 v0;
	v8 =	vunpack.i.u.s16.s32 v0;
	v9 =	vunpack.i.u.s16.s32 v1  }
0x47: {  	v10 =	vunpack.i.l.s16.s32 v1;
	v0 =	vunpack.i.u.s16.s32 v2;
	v1 =	vunpack.i.l.s16.s32 v2;
	v2 =	vld [tilespmem:s16+$0xFFFFFE30]  }
0x48: {  	v8 =	vpack.i.b32.b16 v9, v8;
	v9 =	vunpack.i.u.s16.s32 v3;
	v3 =	vunpack.i.l.s16.s32 v3  }
0x49: {  	v12 =	vld [tilespmem:s16+$0xFFFFFE40];
	v6 =	vpack.i.b32.b16 v10, v6;
	[tilespmem:s17+$0x70] =	vst v8;
	v8 =	vunpack.i.u.s16.s32 v4;
	v4 =	vunpack.i.l.s16.s32 v4  }
0x4a: {  	v13 =	vld [tilespmem:s16+$0x40];
	v10 =	vunpack.i.u.s16.s32 v5;
	v5 =	vunpack.i.l.s16.s32 v5;
	[tilespmem:s17+$0xFFFFFFF0] =	vst v6;
	v3 =	vpack.i.b32.b16 v4, v3  }
0x4b: {  	v6 =	vunpack.i.l.s16.s32 v7;
	v4 =	vld [tilespmem:s16+$0xFFFFFE50];
	[tilespmem:s17+$0xFFFFFF90] =	vst v3;
	v3 =	vpack.i.b32.b16 v8, v9;
	v8 =	vunpack.i.u.s16.s32 v7  }
0x4c: {  	v7 =	vunpack.i.l.s16.s32 v11;
	[tilespmem:s17+$0x10] =	vst v3;
	v3 =	vpack.i.b32.b16 v6, v5;
	v9 =	vunpack.i.u.s16.s32 v2;
	v6 =	vld [tilespmem:s16+$0x50]  }
0x4d: {  	v5 =	vunpack.i.l.s16.s32 v2;
	v2 =	vld [tilespmem:s16+$0xFFFFFE60];
	[tilespmem:s17+$0xFFFFFFA0] =	vst v3;
	v3 =	vpack.i.b32.b16 v8, v10;
	v10 =	vunpack.i.u.s16.s32 v11  }
0x4e: {  	s21 =	simm.s32 $0x0;
	v11 =	vpack.i.b32.b16 v7, v5;
	v7 =	vunpack.i.u.s16.s32 v12;
	v8 =	vunpack.i.l.s16.s32 v12;
	[tilespmem:s17+$0x20] =	vst v3;
	v3 =	vld [tilespmem:s16+$0x60]  }
0x4f: {  	s22 =	sadd.s32 $0x80, s16;
	s20 =	smov.u32 s17;
	s19 =	smov.u32 s17;
	v5 =	vld [tilespmem:s16+$0xFFFFFE00];
	[tilespmem:s17+$0xFFFFFFB0] =	vst v11;
	v10 =	vpack.i.b32.b16 v10, v9;
	v9 =	vunpack.i.u.s16.s32 v13;
	v11 =	vunpack.i.l.s16.s32 v13  }
.LBB1_5:
0x50: {  	v12 =	vld [tilespmem:s22+$0xFFFFFE70];
	[tilespmem:s20+$0x30] =	vst v10;
	v8 =	vpack.i.b32.b16 v11, v8;
	v10 =	vunpack.i.u.s16.s32 v4;
	v4 =	vunpack.i.l.s16.s32 v4  }
0x51: {  	s21 =	sadd.s32 $0x2, s21;
	v7 =	vpack.i.b32.b16 v9, v7;
	v11 =	vld [tilespmem:s22+$0x70];
	[tilespmem:s20+$0xFFFFFFC0] =	vst v8;
	v8 =	vunpack.i.u.s16.s32 v6;
	v6 =	vunpack.i.l.s16.s32 v6  }
0x52: {  	p0 =	slt.u32 s21, $0x6;
	v9 =	vld [tilespmem:s22+$0x0];
	[tilespmem:s20+$0x40] =	vst v7;
	v4 =	vpack.i.b32.b16 v6, v4;
	v6 =	vunpack.i.u.s16.s32 v2;
	v2 =	vunpack.i.l.s16.s32 v2  }
0x53: {  	v7 =	vld [tilespmem:s22+$0xFFFFFE10];
	[tilespmem:s20+$0xFFFFFFD0] =	vst v4;
	v4 =	vpack.i.b32.b16 v8, v10;
	v8 =	vunpack.i.u.s16.s32 v3;
	v3 =	vunpack.i.l.s16.s32 v3  }
0x54: {  	v10 =	vld [tilespmem:s22+$0x10];
	v13 =	vunpack.i.u.s16.s32 v5;
	v5 =	vunpack.i.l.s16.s32 v5;
	[tilespmem:s20+$0x50] =	vst v4;
	v2 =	vpack.i.b32.b16 v3, v2  }
0x55: {  	v3 =	vld [tilespmem:s22+$0xFFFFFE20];
	v4 =	vunpack.i.l.s16.s32 v12;
	v1 =	vpack.i.b32.b16 v1, v5;
	v5 =	vpack.i.b32.b16 v0, v13;
	[tilespmem:s20+$0xFFFFFFE0] =	vst v2  }
0x56: {  	v12 =	vunpack.i.u.s16.s32 v12;
	v2 =	vld [tilespmem:s22+$0x20];
	v13 =	vunpack.i.u.s16.s32 v11;
	v11 =	vunpack.i.l.s16.s32 v11;
	[tilespmem:s20+$0xFFFFFF80] =	vst v1  }
0x57: {  	s20 =	sadd.s32 $0x100, s20;
	v0 =	vunpack.i.u.s16.s32 v9;
	v1 =	vunpack.i.l.s16.s32 v9;
	v9 =	vld [tilespmem:s22+$0xFFFFFE30];
	v12 =	vpack.i.b32.b16 v13, v12;
	[tilespmem:s19+$0x0] =	vst v5  }
0x58: {  	v6 =	vpack.i.b32.b16 v8, v6;
	v5 =	vunpack.i.u.s16.s32 v7;
	v7 =	vunpack.i.l.s16.s32 v7;
	v13 =	vld [tilespmem:s22+$0x30];
	[tilespmem:s20+$0x70] =	vst v12  }
0x59: {  	v4 =	vpack.i.b32.b16 v11, v4;
	v8 =	vunpack.i.u.s16.s32 v10;
	v10 =	vunpack.i.l.s16.s32 v10;
	v12 =	vld [tilespmem:s22+$0xFFFFFE40];
	[tilespmem:s19+$0x60] =	vst v6;
	s19 =	smov.u32 s20  }
0x5a: {  	v6 =	vpack.i.b32.b16 v10, v7;
	v7 =	vunpack.i.u.s16.s32 v3;
	v3 =	vunpack.i.l.s16.s32 v3;
	v11 =	vld [tilespmem:s22+$0x40];
	[tilespmem:s20+$0xFFFFFFF0] =	vst v4  }
.Ltmp4:
0x5b: {  	v5 =	vpack.i.b32.b16 v8, v5;
	[tilespmem:s20+$0xFFFFFF90] =	vst v6;
	v8 =	vunpack.i.u.s16.s32 v2;
	v2 =	vunpack.i.l.s16.s32 v2;
	v4 =	vld [tilespmem:s22+$0xFFFFFE50];
	(pc) =	sbr.rel @p0 .LBB1_5-.Ltmp4, $4  }
0x5c: {  	[tilespmem:s20+$0x10] =	vst v5;
	v2 =	vpack.i.b32.b16 v2, v3;
	v10 =	vunpack.i.u.s16.s32 v9;
	v3 =	vunpack.i.l.s16.s32 v9;
	v6 =	vld [tilespmem:s22+$0x50]  }
0x5d: {  	v5 =	vpack.i.b32.b16 v8, v7;
	[tilespmem:s20+$0xFFFFFFA0] =	vst v2;
	v9 =	vunpack.i.u.s16.s32 v13;
	v7 =	vunpack.i.l.s16.s32 v13;
	v2 =	vld [tilespmem:s22+$0xFFFFFE60]  }
0x5e: {  	[tilespmem:s20+$0x20] =	vst v5;
	v13 =	vpack.i.b32.b16 v7, v3;
	v7 =	vunpack.i.u.s16.s32 v12;
	v8 =	vunpack.i.l.s16.s32 v12;
	v3 =	vld [tilespmem:s22+$0x60]  }
0x5f: {  	v10 =	vpack.i.b32.b16 v9, v10;
	v5 =	vld [tilespmem:s22+$0xFFFFFE00];
	[tilespmem:s20+$0xFFFFFFB0] =	vst v13;
	v9 =	vunpack.i.u.s16.s32 v11;
	v11 =	vunpack.i.l.s16.s32 v11;
	s22 =	sadd.s32 $0x80, s22  }
0x60: {  	[tilespmem:s20+$0x30] =	vst v10;
	v8 =	vpack.i.b32.b16 v11, v8  }
0x61: {  	v51 =	vunpack.i.l.s16.s32 v4;
	v7 =	vpack.i.b32.b16 v9, v7;
	[tilespmem:s20+$0xFFFFFFC0] =	vst v8;
	v52 =	vunpack.i.l.s16.s32 v6  }
0x62: {  	v53 =	vunpack.i.u.s16.s32 v4;
	s18 =	sadd.s32 $0x1, s18;
	v54 =	vunpack.i.u.s16.s32 v6;
	[tilespmem:s20+$0x40] =	vst v7;
	v55 =	vpack.i.b32.b16 v52, v51  }
0x63: {  	p0 =	sne.s32 s18, s15;
	v56 =	vunpack.i.l.s16.s32 v2;
	v4 =	vpack.i.b32.b16 v54, v53;
	[tilespmem:s20+$0xFFFFFFD0] =	vst v55;
	v57 =	vunpack.i.l.s16.s32 v3  }
.Ltmp5:
0x64: {  	[tilespmem:s20+$0x50] =	vst v4;
	v58 =	vunpack.i.l.s16.s32 v5;
	v59 =	vpack.i.b32.b16 v57, v56;
	(pc) =	sbr.rel @p0 .LBB1_4-.Ltmp5, $4  }
.Ltmp6:
0x65: {  	v61 =	vunpack.i.u.s16.s32 v2;
	v62 =	vunpack.i.u.s16.s32 v3;
	v1 =	vpack.i.b32.b16 v1, v58;
	[tilespmem:s20+$0xFFFFFFE0] =	vst v59;
	(pc) =	sbr.rel @!p0 .LBB1_7-.Ltmp6, $4  }
0x66: {  	v60 =	vunpack.i.u.s16.s32 v5;
	v63 =	vpack.i.b32.b16 v62, v61;
	[tilespmem:s20+$0xFFFFFF80] =	vst v1  }
0x67: {  	v0 =	vpack.i.b32.b16 v0, v60;
	[tilespmem:s19+$0x60] =	vst v63  }
0x68: {  	s16 =	sadd.s32 $0x400, s16;
	s17 =	sadd.s32 $0x400, s17;
	[tilespmem:s19+$0x0] =	vst v0  }
0x69: {  	_ = 	snop  }
.LBB1_9:
0x6a: {  	_ =	sfence.sel $0x180000  }
0x6b: {  	s2 =	simm.s32 $0x1;
	[bflag:$0x0] =	sbarrier.arrive $0xFFFF  }
0x6c: {  	s31 =	simm.s32 $0x2;
	[sflag:s2] =	ssyncpa.u1 $0x1  }
0x6d: {  	[sflag:s31] =	ssyncpa.u1 $0x1  }
0x6e: {  	p0 =	sne.s32 s1, $0x0;
	_ =	strace $0x90000047  }
0x6f: {  	s0 =	sadd.s32 @!p0 $0x100000, s0;
	[bflag:$0x2] =	sbarrier.arrive $0xFFFF  }
0x70: {  	[sflag:s0] =	ssyncadd.tile.s32 @!p0 $0x1;
	_ =	shalt  }
.Lfunc_end1:
_tile_overlayer_lowered:
.L_overlay_start_2:
0x71: {  	(tag) =	ssettag $0x2  }
0x72: {  	s0 =	rddreg [dreg:$0x0];
	s2 =	stileid.u32  }
0x73: {  	s1 =	rddreg [dreg:$0x1];
	p0 =	sne.s32 s2, $0x0  }
0x74: {  	s3 =	rddreg [dreg:$0x2];
	[bflag:$0x3] =	sbarrier.arrive $0xFFFF;
	s2 =	simm.s32 @!p0 $0x1C01  }
0x75: {  	[timem:s3], [sflag:s2] =	dma.local @!p0 [hbm:s0], s1  }
0x76: {  	s0 =	simm.s32 @!p0 $0x1  }
0x77: {  	_ =	swait.ge @!p0 [sflag:s0], s1  }
0x78: {  	s1 =	ssub.s32 @!p0 $0x0, s1;
	[sflag:s0] =	ssyncset.done @!p0 $0x0  }
0x79: {  	[sflag:s0] =	ssyncadd.s32 @!p0 s1  }
0x7a: {  	[bflag:$0x3] =	sbarrier.arrive $0xFFFF  }
0x7b: {  	_ =	shalt  }

</sc_bundles>
